<compile_context>
chip_gen: v7x
topology: tpu7x:2x2x1
jax: 0.10.2.dev20260603
libtpu: 0.0.44.dev20260713+nightly
codegen_flags: <defaults>
</compile_context>

<pallas_src>
import jax
import jax.numpy as jnp
from jax import lax
from jax.experimental import pallas as pl
from jax.experimental.pallas import tpu as pltpu
from jax.experimental.pallas import tpu_sc as plsc

_R = 4096
_C = 4096

_TC_ROWS = 3584
_SC_ROWS = _R - _TC_ROWS

_NC = 2
_NS = 16
_NW = _NC * _NS
_L = 16

_SC_N = _SC_ROWS * _C
_SC_BASE = _TC_ROWS * _C
_PER_W = _SC_N // _NW
_CH = 8192
_NBUF = 4
_NCHUNKS = _PER_W // _CH
_ROUNDS = _NCHUNKS // _NBUF


def _tc_body(t_ref, w_ref, o_ref, s_ref):
    @pl.when(pl.program_id(0) == 0)
    def _():
        s_ref[0] = jax.nn.sigmoid(t_ref[0, 0])

    s = s_ref[0]
    w = w_ref[...]
    o_ref[...] = w - jnp.minimum(jnp.maximum(w, -s), s)


def _tc_call(weight, threshold):
    BR = 512
    return pl.pallas_call(
        _tc_body,
        grid=(_TC_ROWS // BR,),
        in_specs=[
            pl.BlockSpec(memory_space=pltpu.SMEM),
            pl.BlockSpec((BR, _C), lambda i: (i, 0)),
        ],
        out_specs=pl.BlockSpec((BR, _C), lambda i: (i, 0)),
        out_shape=jax.ShapeDtypeStruct((_TC_ROWS, _C), jnp.float32),
        scratch_shapes=[
            pltpu.SMEM((1,), jnp.float32),
        ],
        compiler_params=pltpu.CompilerParams(
            vmem_limit_bytes=128 * 1024 * 1024,
        ),
    )(threshold, weight)


def _sc_body(w_hbm, t_hbm, o_hbm, ibuf, obuf, tv, in_sem, out_sem):
    cid = lax.axis_index("c")
    sid = lax.axis_index("s")
    wid = sid * _NC + cid
    base = _SC_BASE + wid * _PER_W

    pltpu.sync_copy(t_hbm, tv)
    t = tv[...]
    s = 1.0 / (1.0 + jnp.exp(-t))
    ns = -s

    def in_copy(g, b):
        return pltpu.make_async_copy(
            w_hbm.at[pl.ds(base + g * _CH, _CH)], ibuf.at[b], in_sem.at[b])

    def out_copy(g, b):
        return pltpu.make_async_copy(
            obuf.at[b], o_hbm.at[pl.ds(wid * _PER_W + g * _CH, _CH)],
            out_sem.at[b])

    def compute(b):
        src = ibuf.at[b]
        dst = obuf.at[b]

        @plsc.parallel_loop(0, _CH // _L, unroll=8)
        def _(i):
            off = i * _L
            v = src[pl.ds(off, _L)]
            dst[pl.ds(off, _L)] = v - jnp.minimum(jnp.maximum(v, ns), s)

    for b in range(_NBUF):
        in_copy(b, b).start()

    for b in range(_NBUF):
        in_copy(b, b).wait()
        compute(b)
        out_copy(b, b).start()
        in_copy(b + _NBUF, b).start()

    def round_body(r, _):
        for b in range(_NBUF):
            g = r * _NBUF + b
            in_copy(g, b).wait()
            out_copy(g - _NBUF, b).wait()
            compute(b)
            out_copy(g, b).start()

            @pl.when(g + _NBUF < _NCHUNKS)
            def _():
                in_copy(g + _NBUF, b).start()

        return _

    lax.fori_loop(1, _ROUNDS, round_body, None)

    for b in range(_NBUF):
        out_copy(_NCHUNKS - _NBUF + b, b).wait()


_sc_call = pl.kernel(
    _sc_body,
    out_type=jax.ShapeDtypeStruct((_SC_N,), jnp.float32),
    mesh=plsc.VectorSubcoreMesh(core_axis_name="c", subcore_axis_name="s"),
    scratch_types=[
        pltpu.VMEM((_NBUF, _CH), jnp.float32),
        pltpu.VMEM((_NBUF, _CH), jnp.float32),
        pltpu.VMEM((_L,), jnp.float32),
        pltpu.SemaphoreType.DMA((_NBUF,)),
        pltpu.SemaphoreType.DMA((_NBUF,)),
    ],
)


def kernel(weight, threshold, alpha):
    wflat = weight.reshape(_R * _C)
    t16 = jnp.full((_L,), threshold[0, 0], dtype=jnp.float32)
    out_sc = _sc_call(wflat, t16)
    out_tc = _tc_call(weight, threshold)
    return jnp.concatenate(
        [out_tc, out_sc.reshape(_SC_ROWS, _C)], axis=0)

# --- scband reference (transcript-rebuilt; emitter-appended) ---
"""Pipeline reference for scband-auto-sparse-42408507081352 (READ-ONLY COPY).

The authoritative reference and input builder live on the scoring server;
editing this copy changes nothing except your own understanding.
"""

import jax, jax.numpy as jnp
import numpy as np

BACKWARD_SPARSITY = 0.5

@jax.custom_vjp
def autosparse_prune(x, alpha):
    return jax.nn.relu(x)

def _prune_fwd(x, alpha):
    x_flat = x.reshape(-1)
    k = int(x_flat.shape[0] * BACKWARD_SPARSITY)
    topks, _ = jax.lax.top_k(x_flat, k)
    kth_value = topks[-1]
    return jax.nn.relu(x), (x, alpha, kth_value)

def _prune_bwd(res, upstream):
    x, alpha, kth_value = res
    grads = jnp.where(x <= 0, alpha, 1.0)
    grads = jnp.where(x < kth_value, 0.0, grads)
    return (grads * upstream, jnp.zeros_like(alpha))

autosparse_prune.defvjp(_prune_fwd, _prune_bwd)

def setup_inputs(seed: int = 0):
    key = jax.random.key(seed)
    k1, k2 = jax.random.split(key)
    # weight: d_model x d_model dense kernel (LANG_PROMPT d_model=4096)
    weight = jax.random.normal(k1, (4096, 4096), dtype=jnp.float32) * 0.05
    # threshold param: layerwise -> shape (1,1), initialized to threshold_init=-4.0
    threshold = jnp.ones((1, 1), dtype=jnp.float32) * (-4.0)
    # alpha from config.alpha = 0.9
    alpha = jnp.ones((1,), dtype=jnp.float32) * 0.9
    return {"weight": weight, "threshold": threshold, "alpha": alpha}

def reference(weight, threshold, alpha):
    # get_mask: |W| (reshaped to [out, -1]) minus sigmoid(threshold)
    weight_reshaped = weight.reshape(weight.shape[0], -1)
    w_t = jnp.abs(weight_reshaped) - jax.nn.sigmoid(threshold)
    mask = autosparse_prune(w_t, alpha)
    # call: sign(W) * reshape(mask, W.shape)
    return jnp.sign(weight) * mask.reshape(weight.shape)

if __name__ == "__main__":
    import jax
    _d = setup_inputs()
    print(jax.jit(kernel)(*tuple(_d.values())))

</pallas_src>

<mosaic_0001>
#map = affine_map<(d0, d1) -> (0)>
module attributes {stable_mosaic.version = 14 : i64} {
  func.func @_sc_body(%arg0: i32, %arg1: i32, %arg2: memref<16777216xf32, #tpu.memory_space<hbm>>, %arg3: memref<16xf32, #tpu.memory_space<hbm>>, %arg4: memref<2097152xf32, #tpu.memory_space<hbm>>, %arg5: memref<4x8192xf32, #tpu.memory_space<vmem>>, %arg6: memref<4x8192xf32, #tpu.memory_space<vmem>>, %arg7: memref<16xf32, #tpu.memory_space<vmem>>, %arg8: memref<4x!tpu.dma_semaphore, #tpu.memory_space<semaphore_mem>>, %arg9: memref<4x!tpu.dma_semaphore, #tpu.memory_space<semaphore_mem>>) attributes {dimension_semantics = [#tpu.dimension_semantics<core_parallel>, #tpu.dimension_semantics<subcore_parallel>], iteration_bounds = array<i64: 2, 16>, scalar_prefetch = 0 : i64, scratch_operands = 5 : i64, tpu.core_type = #tpu.core_type<sc_vector_subcore>, window_params = [{transform_indices = #map}, {transform_indices = #map}, {transform_indices = #map}]} {
    %mul3A = arith.constant 2 : i32
    %mul3A_0 = arith.muli %arg1, %mul3A : i32
    %add3A = arith.addi %mul3A_0, %arg0 : i32
    %mul3A_1 = arith.constant 65536 : i32
    %mul3A_2 = arith.muli %add3A, %mul3A_1 : i32
    %add3A_3 = arith.constant 14680064 : i32
    %add3A_4 = arith.addi %add3A_3, %mul3A_2 : i32
    "tpu.region"() ({
      %run_scoped3A = tpu.sem_alloc : memref<!tpu.dma_semaphore, #tpu.memory_space<semaphore_mem>>
      tpu.enqueue_dma source(%arg3 : memref<16xf32, #tpu.memory_space<hbm>>) target(%arg7 : memref<16xf32, #tpu.memory_space<vmem>>) target_semaphore(%run_scoped3A : memref<!tpu.dma_semaphore, #tpu.memory_space<semaphore_mem>>)
      tpu.wait_dma2 semaphore(%run_scoped3A : memref<!tpu.dma_semaphore, #tpu.memory_space<semaphore_mem>>) src(%arg3 : memref<16xf32, #tpu.memory_space<hbm>>) dst(%arg7 : memref<16xf32, #tpu.memory_space<vmem>>)
      tpu.yield
    }) : () -> ()
    %get3A = arith.constant 0 : index
    %get3A_5 = tpu.vector_load %arg7[%get3A] {strides = array<i32>} : memref<16xf32, #tpu.memory_space<vmem>>, vector<16xf32>,
    %get3A_6 = vector.shape_cast %get3A_5 : vector<16xf32> to vector<16xf32>
    %neg3A = arith.constant 0.000000e+00 : f32
    %neg3A_7 = vector.broadcast %neg3A : f32 to vector<16xf32>
    %neg3A_8 = arith.subf %neg3A_7, %get3A_6 : vector<16xf32>
    %exp3A = math.exp %neg3A_8 : vector<16xf32>
    %add3A_9 = arith.constant 1.000000e+00 : f32
    %add3A_10 = vector.broadcast %add3A_9 : f32 to vector<16xf32>
    %add3A_11 = arith.addf %add3A_10, %exp3A : vector<16xf32>
    %div3A = arith.constant 1.000000e+00 : f32
    %div3A_12 = vector.broadcast %div3A : f32 to vector<16xf32>
    %div3A_13 = arith.divf %div3A_12, %add3A_11 : vector<16xf32>
    %neg3A_14 = arith.constant 0.000000e+00 : f32
    %neg3A_15 = vector.broadcast %neg3A_14 : f32 to vector<16xf32>
    %neg3A_16 = arith.subf %neg3A_15, %div3A_13 : vector<16xf32>
    %add3A_17 = arith.constant 0 : i32
    %add3A_18 = arith.addi %add3A_4, %add3A_17 : i32
    %dma_start3A = arith.constant 0 : i32
    %dma_start3A_19 = arith.constant 0 : i32
    %dma_start3A_20 = arith.constant 0 : i32
    %dma_start3A_21 = tpu.memref_slice %arg5[%dma_start3A, %dma_start3A_20] : memref<4x8192xf32, #tpu.memory_space<vmem>> -> memref<1x8192xf32, #tpu.memory_space<vmem>>
    %dma_start3A_22 = tpu.memref_squeeze %dma_start3A_21 : memref<1x8192xf32, #tpu.memory_space<vmem>> -> memref<8192xf32, #tpu.memory_space<vmem>>
    %dma_start3A_23 = tpu.memref_slice %arg2[%add3A_18] : memref<16777216xf32, #tpu.memory_space<hbm>> -> memref<8192xf32, #tpu.memory_space<hbm>>
    %dma_start3A_24 = tpu.memref_slice %arg8[%dma_start3A_19] : memref<4x!tpu.dma_semaphore, #tpu.memory_space<semaphore_mem>> -> memref<1x!tpu.dma_semaphore, #tpu.memory_space<semaphore_mem>>
    %dma_start3A_25 = tpu.memref_squeeze %dma_start3A_24 : memref<1x!tpu.dma_semaphore, #tpu.memory_space<semaphore_mem>> -> memref<!tpu.dma_semaphore, #tpu.memory_space<semaphore_mem>>
    %dma_start3A_26 = arith.constant 0 : i32
    %dma_start3A_27 = tpu.memref_slice %arg5[%dma_start3A, %dma_start3A_26] : memref<4x8192xf32, #tpu.memory_space<vmem>> -> memref<1x8192xf32, #tpu.memory_space<vmem>>
    %dma_start3A_28 = tpu.memref_squeeze %dma_start3A_27 : memref<1x8192xf32, #tpu.memory_space<vmem>> -> memref<8192xf32, #tpu.memory_space<vmem>>
    %dma_start3A_29 = tpu.memref_slice %arg2[%add3A_18] : memref<16777216xf32, #tpu.memory_space<hbm>> -> memref<8192xf32, #tpu.memory_space<hbm>>
    tpu.enqueue_dma source(%dma_start3A_29 : memref<8192xf32, #tpu.memory_space<hbm>>) target(%dma_start3A_28 : memref<8192xf32, #tpu.memory_space<vmem>>) target_semaphore(%dma_start3A_25 : memref<!tpu.dma_semaphore, #tpu.memory_space<semaphore_mem>>)
    %add3A_30 = arith.constant 8192 : i32
    %add3A_31 = arith.addi %add3A_4, %add3A_30 : i32
    %dma_start3A_32 = arith.constant 1 : i32
    %dma_start3A_33 = arith.constant 1 : i32
    %dma_start3A_34 = arith.constant 0 : i32
    %dma_start3A_35 = tpu.memref_slice %arg5[%dma_start3A_32, %dma_start3A_34] : memref<4x8192xf32, #tpu.memory_space<vmem>> -> memref<1x8192xf32, #tpu.memory_space<vmem>>
    %dma_start3A_36 = tpu.memref_squeeze %dma_start3A_35 : memref<1x8192xf32, #tpu.memory_space<vmem>> -> memref<8192xf32, #tpu.memory_space<vmem>>
    %dma_start3A_37 = tpu.memref_slice %arg2[%add3A_31] : memref<16777216xf32, #tpu.memory_space<hbm>> -> memref<8192xf32, #tpu.memory_space<hbm>>
    %dma_start3A_38 = tpu.memref_slice %arg8[%dma_start3A_33] : memref<4x!tpu.dma_semaphore, #tpu.memory_space<semaphore_mem>> -> memref<1x!tpu.dma_semaphore, #tpu.memory_space<semaphore_mem>>
    %dma_start3A_39 = tpu.memref_squeeze %dma_start3A_38 : memref<1x!tpu.dma_semaphore, #tpu.memory_space<semaphore_mem>> -> memref<!tpu.dma_semaphore, #tpu.memory_space<semaphore_mem>>
    %dma_start3A_40 = arith.constant 0 : i32
    %dma_start3A_41 = tpu.memref_slice %arg5[%dma_start3A_32, %dma_start3A_40] : memref<4x8192xf32, #tpu.memory_space<vmem>> -> memref<1x8192xf32, #tpu.memory_space<vmem>>
    %dma_start3A_42 = tpu.memref_squeeze %dma_start3A_41 : memref<1x8192xf32, #tpu.memory_space<vmem>> -> memref<8192xf32, #tpu.memory_space<vmem>>
    %dma_start3A_43 = tpu.memref_slice %arg2[%add3A_31] : memref<16777216xf32, #tpu.memory_space<hbm>> -> memref<8192xf32, #tpu.memory_space<hbm>>
    tpu.enqueue_dma source(%dma_start3A_43 : memref<8192xf32, #tpu.memory_space<hbm>>) target(%dma_start3A_42 : memref<8192xf32, #tpu.memory_space<vmem>>) target_semaphore(%dma_start3A_39 : memref<!tpu.dma_semaphore, #tpu.memory_space<semaphore_mem>>)
    %add3A_44 = arith.constant 16384 : i32
    %add3A_45 = arith.addi %add3A_4, %add3A_44 : i32
    %dma_start3A_46 = arith.constant 2 : i32
    %dma_start3A_47 = arith.constant 2 : i32
    %dma_start3A_48 = arith.constant 0 : i32
    %dma_start3A_49 = tpu.memref_slice %arg5[%dma_start3A_46, %dma_start3A_48] : memref<4x8192xf32, #tpu.memory_space<vmem>> -> memref<1x8192xf32, #tpu.memory_space<vmem>>
    %dma_start3A_50 = tpu.memref_squeeze %dma_start3A_49 : memref<1x8192xf32, #tpu.memory_space<vmem>> -> memref<8192xf32, #tpu.memory_space<vmem>>
    %dma_start3A_51 = tpu.memref_slice %arg2[%add3A_45] : memref<16777216xf32, #tpu.memory_space<hbm>> -> memref<8192xf32, #tpu.memory_space<hbm>>
    %dma_start3A_52 = tpu.memref_slice %arg8[%dma_start3A_47] : memref<4x!tpu.dma_semaphore, #tpu.memory_space<semaphore_mem>> -> memref<1x!tpu.dma_semaphore, #tpu.memory_space<semaphore_mem>>
    %dma_start3A_53 = tpu.memref_squeeze %dma_start3A_52 : memref<1x!tpu.dma_semaphore, #tpu.memory_space<semaphore_mem>> -> memref<!tpu.dma_semaphore, #tpu.memory_space<semaphore_mem>>
    %dma_start3A_54 = arith.constant 0 : i32
    %dma_start3A_55 = tpu.memref_slice %arg5[%dma_start3A_46, %dma_start3A_54] : memref<4x8192xf32, #tpu.memory_space<vmem>> -> memref<1x8192xf32, #tpu.memory_space<vmem>>
    %dma_start3A_56 = tpu.memref_squeeze %dma_start3A_55 : memref<1x8192xf32, #tpu.memory_space<vmem>> -> memref<8192xf32, #tpu.memory_space<vmem>>
    %dma_start3A_57 = tpu.memref_slice %arg2[%add3A_45] : memref<16777216xf32, #tpu.memory_space<hbm>> -> memref<8192xf32, #tpu.memory_space<hbm>>
    tpu.enqueue_dma source(%dma_start3A_57 : memref<8192xf32, #tpu.memory_space<hbm>>) target(%dma_start3A_56 : memref<8192xf32, #tpu.memory_space<vmem>>) target_semaphore(%dma_start3A_53 : memref<!tpu.dma_semaphore, #tpu.memory_space<semaphore_mem>>)
    %add3A_58 = arith.constant 24576 : i32
    %add3A_59 = arith.addi %add3A_4, %add3A_58 : i32
    %dma_start3A_60 = arith.constant 3 : i32
    %dma_start3A_61 = arith.constant 3 : i32
    %dma_start3A_62 = arith.constant 0 : i32
    %dma_start3A_63 = tpu.memref_slice %arg5[%dma_start3A_60, %dma_start3A_62] : memref<4x8192xf32, #tpu.memory_space<vmem>> -> memref<1x8192xf32, #tpu.memory_space<vmem>>
    %dma_start3A_64 = tpu.memref_squeeze %dma_start3A_63 : memref<1x8192xf32, #tpu.memory_space<vmem>> -> memref<8192xf32, #tpu.memory_space<vmem>>
    %dma_start3A_65 = tpu.memref_slice %arg2[%add3A_59] : memref<16777216xf32, #tpu.memory_space<hbm>> -> memref<8192xf32, #tpu.memory_space<hbm>>
    %dma_start3A_66 = tpu.memref_slice %arg8[%dma_start3A_61] : memref<4x!tpu.dma_semaphore, #tpu.memory_space<semaphore_mem>> -> memref<1x!tpu.dma_semaphore, #tpu.memory_space<semaphore_mem>>
    %dma_start3A_67 = tpu.memref_squeeze %dma_start3A_66 : memref<1x!tpu.dma_semaphore, #tpu.memory_space<semaphore_mem>> -> memref<!tpu.dma_semaphore, #tpu.memory_space<semaphore_mem>>
    %dma_start3A_68 = arith.constant 0 : i32
    %dma_start3A_69 = tpu.memref_slice %arg5[%dma_start3A_60, %dma_start3A_68] : memref<4x8192xf32, #tpu.memory_space<vmem>> -> memref<1x8192xf32, #tpu.memory_space<vmem>>
    %dma_start3A_70 = tpu.memref_squeeze %dma_start3A_69 : memref<1x8192xf32, #tpu.memory_space<vmem>> -> memref<8192xf32, #tpu.memory_space<vmem>>
    %dma_start3A_71 = tpu.memref_slice %arg2[%add3A_59] : memref<16777216xf32, #tpu.memory_space<hbm>> -> memref<8192xf32, #tpu.memory_space<hbm>>
    tpu.enqueue_dma source(%dma_start3A_71 : memref<8192xf32, #tpu.memory_space<hbm>>) target(%dma_start3A_70 : memref<8192xf32, #tpu.memory_space<vmem>>) target_semaphore(%dma_start3A_67 : memref<!tpu.dma_semaphore, #tpu.memory_space<semaphore_mem>>)
    %add3A_72 = arith.constant 0 : i32
    %add3A_73 = arith.addi %add3A_4, %add3A_72 : i32
    %dma_wait3A = arith.constant 0 : i32
    %dma_wait3A_74 = arith.constant 0 : i32
    %dma_wait3A_75 = arith.constant 0 : i32
    %dma_wait3A_76 = tpu.memref_slice %arg5[%dma_wait3A, %dma_wait3A_75] : memref<4x8192xf32, #tpu.memory_space<vmem>> -> memref<1x8192xf32, #tpu.memory_space<vmem>>
    %dma_wait3A_77 = tpu.memref_squeeze %dma_wait3A_76 : memref<1x8192xf32, #tpu.memory_space<vmem>> -> memref<8192xf32, #tpu.memory_space<vmem>>
    %dma_wait3A_78 = tpu.memref_slice %arg2[%add3A_73] : memref<16777216xf32, #tpu.memory_space<hbm>> -> memref<8192xf32, #tpu.memory_space<hbm>>
    %dma_wait3A_79 = tpu.memref_slice %arg8[%dma_wait3A_74] : memref<4x!tpu.dma_semaphore, #tpu.memory_space<semaphore_mem>> -> memref<1x!tpu.dma_semaphore, #tpu.memory_space<semaphore_mem>>
    %dma_wait3A_80 = tpu.memref_squeeze %dma_wait3A_79 : memref<1x!tpu.dma_semaphore, #tpu.memory_space<semaphore_mem>> -> memref<!tpu.dma_semaphore, #tpu.memory_space<semaphore_mem>>
    %dma_wait3A_81 = arith.constant 0 : i32
    %dma_wait3A_82 = tpu.memref_slice %arg5[%dma_wait3A, %dma_wait3A_81] : memref<4x8192xf32, #tpu.memory_space<vmem>> -> memref<1x8192xf32, #tpu.memory_space<vmem>>
    %dma_wait3A_83 = tpu.memref_squeeze %dma_wait3A_82 : memref<1x8192xf32, #tpu.memory_space<vmem>> -> memref<8192xf32, #tpu.memory_space<vmem>>
    %dma_wait3A_84 = tpu.memref_slice %arg2[%add3A_73] : memref<16777216xf32, #tpu.memory_space<hbm>> -> memref<8192xf32, #tpu.memory_space<hbm>>
    tpu.wait_dma2 semaphore(%dma_wait3A_80 : memref<!tpu.dma_semaphore, #tpu.memory_space<semaphore_mem>>) src(%dma_wait3A_84 : memref<8192xf32, #tpu.memory_space<hbm>>) dst(%dma_wait3A_83 : memref<8192xf32, #tpu.memory_space<vmem>>)
    %parallel_loop3A = arith.constant 0 : i32
    %parallel_loop3A_85 = arith.constant 512 : i32
    %parallel_loop3A_86 = arith.constant 1 : i32
    %parallel_loop3A_87 = arith.constant 0 : i32
    %parallel_loop3A_88 = arith.constant 0 : i32
    scf.for %parallel_loop3A_595 = %parallel_loop3A to %parallel_loop3A_85 step %parallel_loop3A_86  : i32 {
      %parallel_loop3A_596 = arith.constant 16 : i32
      %parallel_loop3A_597 = arith.muli %parallel_loop3A_595, %parallel_loop3A_596 : i32
      %parallel_loop3A_598 = arith.constant 0 : i32
      %parallel_loop3A_599 = tpu.memref_slice %arg5[%parallel_loop3A_87, %parallel_loop3A_598] : memref<4x8192xf32, #tpu.memory_space<vmem>> -> memref<1x8192xf32, #tpu.memory_space<vmem>>
      %parallel_loop3A_600 = tpu.memref_squeeze %parallel_loop3A_599 : memref<1x8192xf32, #tpu.memory_space<vmem>> -> memref<8192xf32, #tpu.memory_space<vmem>>
      %parallel_loop3A_601 = arith.index_cast %parallel_loop3A_597 : i32 to index
      %parallel_loop3A_602 = tpu.vector_load %parallel_loop3A_600[%parallel_loop3A_601] {strides = array<i32>} : memref<8192xf32, #tpu.memory_space<vmem>>, vector<16xf32>,
      %parallel_loop3A_603 = vector.shape_cast %parallel_loop3A_602 : vector<16xf32> to vector<16xf32>
      %parallel_loop3A_604 = arith.maximumf %parallel_loop3A_603, %neg3A_16 : vector<16xf32>
      %parallel_loop3A_605 = arith.minimumf %parallel_loop3A_604, %div3A_13 : vector<16xf32>
      %parallel_loop3A_606 = arith.subf %parallel_loop3A_603, %parallel_loop3A_605 : vector<16xf32>
      %parallel_loop3A_607 = arith.constant 0 : i32
      %parallel_loop3A_608 = tpu.memref_slice %arg6[%parallel_loop3A_88, %parallel_loop3A_607] : memref<4x8192xf32, #tpu.memory_space<vmem>> -> memref<1x8192xf32, #tpu.memory_space<vmem>>
      %parallel_loop3A_609 = tpu.memref_squeeze %parallel_loop3A_608 : memref<1x8192xf32, #tpu.memory_space<vmem>> -> memref<8192xf32, #tpu.memory_space<vmem>>
      %parallel_loop3A_610 = arith.index_cast %parallel_loop3A_597 : i32 to index
      %parallel_loop3A_611 = tpu.vector_load %parallel_loop3A_609[%parallel_loop3A_610] {strides = array<i32>} : memref<8192xf32, #tpu.memory_space<vmem>>, vector<16xf32>,
      %parallel_loop3A_612 = vector.shape_cast %parallel_loop3A_611 : vector<16xf32> to vector<16xf32>
      %parallel_loop3A_613 = vector.shape_cast %parallel_loop3A_606 : vector<16xf32> to vector<16xf32>
      tpu.vector_store %parallel_loop3A_609[%parallel_loop3A_610], %parallel_loop3A_613 {strides = array<i32>} : memref<8192xf32, #tpu.memory_space<vmem>>, vector<16xf32>,
    } {sc.loop_unroll_factor = 8 : i64, sc.parallel_access}
    %mul3A_89 = arith.constant 65536 : i32
    %mul3A_90 = arith.muli %add3A, %mul3A_89 : i32
    %add3A_91 = arith.constant 0 : i32
    %add3A_92 = arith.addi %mul3A_90, %add3A_91 : i32
    %dma_start3A_93 = arith.constant 0 : i32
    %dma_start3A_94 = arith.constant 0 : i32
    %dma_start3A_95 = arith.constant 0 : i32
    %dma_start3A_96 = tpu.memref_slice %arg6[%dma_start3A_93, %dma_start3A_95] : memref<4x8192xf32, #tpu.memory_space<vmem>> -> memref<1x8192xf32, #tpu.memory_space<vmem>>
    %dma_start3A_97 = tpu.memref_squeeze %dma_start3A_96 : memref<1x8192xf32, #tpu.memory_space<vmem>> -> memref<8192xf32, #tpu.memory_space<vmem>>
    %dma_start3A_98 = tpu.memref_slice %arg4[%add3A_92] : memref<2097152xf32, #tpu.memory_space<hbm>> -> memref<8192xf32, #tpu.memory_space<hbm>>
    %dma_start3A_99 = tpu.memref_slice %arg9[%dma_start3A_94] : memref<4x!tpu.dma_semaphore, #tpu.memory_space<semaphore_mem>> -> memref<1x!tpu.dma_semaphore, #tpu.memory_space<semaphore_mem>>
    %dma_start3A_100 = tpu.memref_squeeze %dma_start3A_99 : memref<1x!tpu.dma_semaphore, #tpu.memory_space<semaphore_mem>> -> memref<!tpu.dma_semaphore, #tpu.memory_space<semaphore_mem>>
    %dma_start3A_101 = tpu.memref_slice %arg4[%add3A_92] : memref<2097152xf32, #tpu.memory_space<hbm>> -> memref<8192xf32, #tpu.memory_space<hbm>>
    %dma_start3A_102 = arith.constant 0 : i32
    %dma_start3A_103 = tpu.memref_slice %arg6[%dma_start3A_93, %dma_start3A_102] : memref<4x8192xf32, #tpu.memory_space<vmem>> -> memref<1x8192xf32, #tpu.memory_space<vmem>>
    %dma_start3A_104 = tpu.memref_squeeze %dma_start3A_103 : memref<1x8192xf32, #tpu.memory_space<vmem>> -> memref<8192xf32, #tpu.memory_space<vmem>>
    tpu.enqueue_dma source(%dma_start3A_104 : memref<8192xf32, #tpu.memory_space<vmem>>) target(%dma_start3A_101 : memref<8192xf32, #tpu.memory_space<hbm>>) target_semaphore(%dma_start3A_100 : memref<!tpu.dma_semaphore, #tpu.memory_space<semaphore_mem>>)
    %add3A_105 = arith.constant 32768 : i32
    %add3A_106 = arith.addi %add3A_4, %add3A_105 : i32
    %dma_start3A_107 = arith.constant 0 : i32
    %dma_start3A_108 = arith.constant 0 : i32
    %dma_start3A_109 = arith.constant 0 : i32
    %dma_start3A_110 = tpu.memref_slice %arg5[%dma_start3A_107, %dma_start3A_109] : memref<4x8192xf32, #tpu.memory_space<vmem>> -> memref<1x8192xf32, #tpu.memory_space<vmem>>
    %dma_start3A_111 = tpu.memref_squeeze %dma_start3A_110 : memref<1x8192xf32, #tpu.memory_space<vmem>> -> memref<8192xf32, #tpu.memory_space<vmem>>
    %dma_start3A_112 = tpu.memref_slice %arg2[%add3A_106] : memref<16777216xf32, #tpu.memory_space<hbm>> -> memref<8192xf32, #tpu.memory_space<hbm>>
    %dma_start3A_113 = tpu.memref_slice %arg8[%dma_start3A_108] : memref<4x!tpu.dma_semaphore, #tpu.memory_space<semaphore_mem>> -> memref<1x!tpu.dma_semaphore, #tpu.memory_space<semaphore_mem>>
    %dma_start3A_114 = tpu.memref_squeeze %dma_start3A_113 : memref<1x!tpu.dma_semaphore, #tpu.memory_space<semaphore_mem>> -> memref<!tpu.dma_semaphore, #tpu.memory_space<semaphore_mem>>
    %dma_start3A_115 = arith.constant 0 : i32
    %dma_start3A_116 = tpu.memref_slice %arg5[%dma_start3A_107, %dma_start3A_115] : memref<4x8192xf32, #tpu.memory_space<vmem>> -> memref<1x8192xf32, #tpu.memory_space<vmem>>
    %dma_start3A_117 = tpu.memref_squeeze %dma_start3A_116 : memref<1x8192xf32, #tpu.memory_space<vmem>> -> memref<8192xf32, #tpu.memory_space<vmem>>
    %dma_start3A_118 = tpu.memref_slice %arg2[%add3A_106] : memref<16777216xf32, #tpu.memory_space<hbm>> -> memref<8192xf32, #tpu.memory_space<hbm>>
    tpu.enqueue_dma source(%dma_start3A_118 : memref<8192xf32, #tpu.memory_space<hbm>>) target(%dma_start3A_117 : memref<8192xf32, #tpu.memory_space<vmem>>) target_semaphore(%dma_start3A_114 : memref<!tpu.dma_semaphore, #tpu.memory_space<semaphore_mem>>)
    %add3A_119 = arith.constant 8192 : i32
    %add3A_120 = arith.addi %add3A_4, %add3A_119 : i32
    %dma_wait3A_121 = arith.constant 1 : i32
    %dma_wait3A_122 = arith.constant 1 : i32
    %dma_wait3A_123 = arith.constant 0 : i32
    %dma_wait3A_124 = tpu.memref_slice %arg5[%dma_wait3A_121, %dma_wait3A_123] : memref<4x8192xf32, #tpu.memory_space<vmem>> -> memref<1x8192xf32, #tpu.memory_space<vmem>>
    %dma_wait3A_125 = tpu.memref_squeeze %dma_wait3A_124 : memref<1x8192xf32, #tpu.memory_space<vmem>> -> memref<8192xf32, #tpu.memory_space<vmem>>
    %dma_wait3A_126 = tpu.memref_slice %arg2[%add3A_120] : memref<16777216xf32, #tpu.memory_space<hbm>> -> memref<8192xf32, #tpu.memory_space<hbm>>
    %dma_wait3A_127 = tpu.memref_slice %arg8[%dma_wait3A_122] : memref<4x!tpu.dma_semaphore, #tpu.memory_space<semaphore_mem>> -> memref<1x!tpu.dma_semaphore, #tpu.memory_space<semaphore_mem>>
    %dma_wait3A_128 = tpu.memref_squeeze %dma_wait3A_127 : memref<1x!tpu.dma_semaphore, #tpu.memory_space<semaphore_mem>> -> memref<!tpu.dma_semaphore, #tpu.memory_space<semaphore_mem>>
    %dma_wait3A_129 = arith.constant 0 : i32
    %dma_wait3A_130 = tpu.memref_slice %arg5[%dma_wait3A_121, %dma_wait3A_129] : memref<4x8192xf32, #tpu.memory_space<vmem>> -> memref<1x8192xf32, #tpu.memory_space<vmem>>
    %dma_wait3A_131 = tpu.memref_squeeze %dma_wait3A_130 : memref<1x8192xf32, #tpu.memory_space<vmem>> -> memref<8192xf32, #tpu.memory_space<vmem>>
    %dma_wait3A_132 = tpu.memref_slice %arg2[%add3A_120] : memref<16777216xf32, #tpu.memory_space<hbm>> -> memref<8192xf32, #tpu.memory_space<hbm>>
    tpu.wait_dma2 semaphore(%dma_wait3A_128 : memref<!tpu.dma_semaphore, #tpu.memory_space<semaphore_mem>>) src(%dma_wait3A_132 : memref<8192xf32, #tpu.memory_space<hbm>>) dst(%dma_wait3A_131 : memref<8192xf32, #tpu.memory_space<vmem>>)
    %parallel_loop3A_133 = arith.constant 0 : i32
    %parallel_loop3A_134 = arith.constant 512 : i32
    %parallel_loop3A_135 = arith.constant 1 : i32
    %parallel_loop3A_136 = arith.constant 1 : i32
    %parallel_loop3A_137 = arith.constant 1 : i32
    scf.for %parallel_loop3A_595 = %parallel_loop3A_133 to %parallel_loop3A_134 step %parallel_loop3A_135  : i32 {
      %parallel_loop3A_596 = arith.constant 16 : i32
      %parallel_loop3A_597 = arith.muli %parallel_loop3A_595, %parallel_loop3A_596 : i32
      %parallel_loop3A_598 = arith.constant 0 : i32
      %parallel_loop3A_599 = tpu.memref_slice %arg5[%parallel_loop3A_136, %parallel_loop3A_598] : memref<4x8192xf32, #tpu.memory_space<vmem>> -> memref<1x8192xf32, #tpu.memory_space<vmem>>
      %parallel_loop3A_600 = tpu.memref_squeeze %parallel_loop3A_599 : memref<1x8192xf32, #tpu.memory_space<vmem>> -> memref<8192xf32, #tpu.memory_space<vmem>>
      %parallel_loop3A_601 = arith.index_cast %parallel_loop3A_597 : i32 to index
      %parallel_loop3A_602 = tpu.vector_load %parallel_loop3A_600[%parallel_loop3A_601] {strides = array<i32>} : memref<8192xf32, #tpu.memory_space<vmem>>, vector<16xf32>,
      %parallel_loop3A_603 = vector.shape_cast %parallel_loop3A_602 : vector<16xf32> to vector<16xf32>
      %parallel_loop3A_604 = arith.maximumf %parallel_loop3A_603, %neg3A_16 : vector<16xf32>
      %parallel_loop3A_605 = arith.minimumf %parallel_loop3A_604, %div3A_13 : vector<16xf32>
      %parallel_loop3A_606 = arith.subf %parallel_loop3A_603, %parallel_loop3A_605 : vector<16xf32>
      %parallel_loop3A_607 = arith.constant 0 : i32
      %parallel_loop3A_608 = tpu.memref_slice %arg6[%parallel_loop3A_137, %parallel_loop3A_607] : memref<4x8192xf32, #tpu.memory_space<vmem>> -> memref<1x8192xf32, #tpu.memory_space<vmem>>
      %parallel_loop3A_609 = tpu.memref_squeeze %parallel_loop3A_608 : memref<1x8192xf32, #tpu.memory_space<vmem>> -> memref<8192xf32, #tpu.memory_space<vmem>>
      %parallel_loop3A_610 = arith.index_cast %parallel_loop3A_597 : i32 to index
      %parallel_loop3A_611 = tpu.vector_load %parallel_loop3A_609[%parallel_loop3A_610] {strides = array<i32>} : memref<8192xf32, #tpu.memory_space<vmem>>, vector<16xf32>,
      %parallel_loop3A_612 = vector.shape_cast %parallel_loop3A_611 : vector<16xf32> to vector<16xf32>
      %parallel_loop3A_613 = vector.shape_cast %parallel_loop3A_606 : vector<16xf32> to vector<16xf32>
      tpu.vector_store %parallel_loop3A_609[%parallel_loop3A_610], %parallel_loop3A_613 {strides = array<i32>} : memref<8192xf32, #tpu.memory_space<vmem>>, vector<16xf32>,
    } {sc.loop_unroll_factor = 8 : i64, sc.parallel_access}
    %mul3A_138 = arith.constant 65536 : i32
    %mul3A_139 = arith.muli %add3A, %mul3A_138 : i32
    %add3A_140 = arith.constant 8192 : i32
    %add3A_141 = arith.addi %mul3A_139, %add3A_140 : i32
    %dma_start3A_142 = arith.constant 1 : i32
    %dma_start3A_143 = arith.constant 1 : i32
    %dma_start3A_144 = arith.constant 0 : i32
    %dma_start3A_145 = tpu.memref_slice %arg6[%dma_start3A_142, %dma_start3A_144] : memref<4x8192xf32, #tpu.memory_space<vmem>> -> memref<1x8192xf32, #tpu.memory_space<vmem>>
    %dma_start3A_146 = tpu.memref_squeeze %dma_start3A_145 : memref<1x8192xf32, #tpu.memory_space<vmem>> -> memref<8192xf32, #tpu.memory_space<vmem>>
    %dma_start3A_147 = tpu.memref_slice %arg4[%add3A_141] : memref<2097152xf32, #tpu.memory_space<hbm>> -> memref<8192xf32, #tpu.memory_space<hbm>>
    %dma_start3A_148 = tpu.memref_slice %arg9[%dma_start3A_143] : memref<4x!tpu.dma_semaphore, #tpu.memory_space<semaphore_mem>> -> memref<1x!tpu.dma_semaphore, #tpu.memory_space<semaphore_mem>>
    %dma_start3A_149 = tpu.memref_squeeze %dma_start3A_148 : memref<1x!tpu.dma_semaphore, #tpu.memory_space<semaphore_mem>> -> memref<!tpu.dma_semaphore, #tpu.memory_space<semaphore_mem>>
    %dma_start3A_150 = tpu.memref_slice %arg4[%add3A_141] : memref<2097152xf32, #tpu.memory_space<hbm>> -> memref<8192xf32, #tpu.memory_space<hbm>>
    %dma_start3A_151 = arith.constant 0 : i32
    %dma_start3A_152 = tpu.memref_slice %arg6[%dma_start3A_142, %dma_start3A_151] : memref<4x8192xf32, #tpu.memory_space<vmem>> -> memref<1x8192xf32, #tpu.memory_space<vmem>>
    %dma_start3A_153 = tpu.memref_squeeze %dma_start3A_152 : memref<1x8192xf32, #tpu.memory_space<vmem>> -> memref<8192xf32, #tpu.memory_space<vmem>>
    tpu.enqueue_dma source(%dma_start3A_153 : memref<8192xf32, #tpu.memory_space<vmem>>) target(%dma_start3A_150 : memref<8192xf32, #tpu.memory_space<hbm>>) target_semaphore(%dma_start3A_149 : memref<!tpu.dma_semaphore, #tpu.memory_space<semaphore_mem>>)
    %add3A_154 = arith.constant 40960 : i32
    %add3A_155 = arith.addi %add3A_4, %add3A_154 : i32
    %dma_start3A_156 = arith.constant 1 : i32
    %dma_start3A_157 = arith.constant 1 : i32
    %dma_start3A_158 = arith.constant 0 : i32
    %dma_start3A_159 = tpu.memref_slice %arg5[%dma_start3A_156, %dma_start3A_158] : memref<4x8192xf32, #tpu.memory_space<vmem>> -> memref<1x8192xf32, #tpu.memory_space<vmem>>
    %dma_start3A_160 = tpu.memref_squeeze %dma_start3A_159 : memref<1x8192xf32, #tpu.memory_space<vmem>> -> memref<8192xf32, #tpu.memory_space<vmem>>
    %dma_start3A_161 = tpu.memref_slice %arg2[%add3A_155] : memref<16777216xf32, #tpu.memory_space<hbm>> -> memref<8192xf32, #tpu.memory_space<hbm>>
    %dma_start3A_162 = tpu.memref_slice %arg8[%dma_start3A_157] : memref<4x!tpu.dma_semaphore, #tpu.memory_space<semaphore_mem>> -> memref<1x!tpu.dma_semaphore, #tpu.memory_space<semaphore_mem>>
    %dma_start3A_163 = tpu.memref_squeeze %dma_start3A_162 : memref<1x!tpu.dma_semaphore, #tpu.memory_space<semaphore_mem>> -> memref<!tpu.dma_semaphore, #tpu.memory_space<semaphore_mem>>
    %dma_start3A_164 = arith.constant 0 : i32
    %dma_start3A_165 = tpu.memref_slice %arg5[%dma_start3A_156, %dma_start3A_164] : memref<4x8192xf32, #tpu.memory_space<vmem>> -> memref<1x8192xf32, #tpu.memory_space<vmem>>
    %dma_start3A_166 = tpu.memref_squeeze %dma_start3A_165 : memref<1x8192xf32, #tpu.memory_space<vmem>> -> memref<8192xf32, #tpu.memory_space<vmem>>
    %dma_start3A_167 = tpu.memref_slice %arg2[%add3A_155] : memref<16777216xf32, #tpu.memory_space<hbm>> -> memref<8192xf32, #tpu.memory_space<hbm>>
    tpu.enqueue_dma source(%dma_start3A_167 : memref<8192xf32, #tpu.memory_space<hbm>>) target(%dma_start3A_166 : memref<8192xf32, #tpu.memory_space<vmem>>) target_semaphore(%dma_start3A_163 : memref<!tpu.dma_semaphore, #tpu.memory_space<semaphore_mem>>)
    %add3A_168 = arith.constant 16384 : i32
    %add3A_169 = arith.addi %add3A_4, %add3A_168 : i32
    %dma_wait3A_170 = arith.constant 2 : i32
    %dma_wait3A_171 = arith.constant 2 : i32
    %dma_wait3A_172 = arith.constant 0 : i32
    %dma_wait3A_173 = tpu.memref_slice %arg5[%dma_wait3A_170, %dma_wait3A_172] : memref<4x8192xf32, #tpu.memory_space<vmem>> -> memref<1x8192xf32, #tpu.memory_space<vmem>>
    %dma_wait3A_174 = tpu.memref_squeeze %dma_wait3A_173 : memref<1x8192xf32, #tpu.memory_space<vmem>> -> memref<8192xf32, #tpu.memory_space<vmem>>
    %dma_wait3A_175 = tpu.memref_slice %arg2[%add3A_169] : memref<16777216xf32, #tpu.memory_space<hbm>> -> memref<8192xf32, #tpu.memory_space<hbm>>
    %dma_wait3A_176 = tpu.memref_slice %arg8[%dma_wait3A_171] : memref<4x!tpu.dma_semaphore, #tpu.memory_space<semaphore_mem>> -> memref<1x!tpu.dma_semaphore, #tpu.memory_space<semaphore_mem>>
    %dma_wait3A_177 = tpu.memref_squeeze %dma_wait3A_176 : memref<1x!tpu.dma_semaphore, #tpu.memory_space<semaphore_mem>> -> memref<!tpu.dma_semaphore, #tpu.memory_space<semaphore_mem>>
    %dma_wait3A_178 = arith.constant 0 : i32
    %dma_wait3A_179 = tpu.memref_slice %arg5[%dma_wait3A_170, %dma_wait3A_178] : memref<4x8192xf32, #tpu.memory_space<vmem>> -> memref<1x8192xf32, #tpu.memory_space<vmem>>
    %dma_wait3A_180 = tpu.memref_squeeze %dma_wait3A_179 : memref<1x8192xf32, #tpu.memory_space<vmem>> -> memref<8192xf32, #tpu.memory_space<vmem>>
    %dma_wait3A_181 = tpu.memref_slice %arg2[%add3A_169] : memref<16777216xf32, #tpu.memory_space<hbm>> -> memref<8192xf32, #tpu.memory_space<hbm>>
    tpu.wait_dma2 semaphore(%dma_wait3A_177 : memref<!tpu.dma_semaphore, #tpu.memory_space<semaphore_mem>>) src(%dma_wait3A_181 : memref<8192xf32, #tpu.memory_space<hbm>>) dst(%dma_wait3A_180 : memref<8192xf32, #tpu.memory_space<vmem>>)
    %parallel_loop3A_182 = arith.constant 0 : i32
    %parallel_loop3A_183 = arith.constant 512 : i32
    %parallel_loop3A_184 = arith.constant 1 : i32
    %parallel_loop3A_185 = arith.constant 2 : i32
    %parallel_loop3A_186 = arith.constant 2 : i32
    scf.for %parallel_loop3A_595 = %parallel_loop3A_182 to %parallel_loop3A_183 step %parallel_loop3A_184  : i32 {
      %parallel_loop3A_596 = arith.constant 16 : i32
      %parallel_loop3A_597 = arith.muli %parallel_loop3A_595, %parallel_loop3A_596 : i32
      %parallel_loop3A_598 = arith.constant 0 : i32
      %parallel_loop3A_599 = tpu.memref_slice %arg5[%parallel_loop3A_185, %parallel_loop3A_598] : memref<4x8192xf32, #tpu.memory_space<vmem>> -> memref<1x8192xf32, #tpu.memory_space<vmem>>
      %parallel_loop3A_600 = tpu.memref_squeeze %parallel_loop3A_599 : memref<1x8192xf32, #tpu.memory_space<vmem>> -> memref<8192xf32, #tpu.memory_space<vmem>>
      %parallel_loop3A_601 = arith.index_cast %parallel_loop3A_597 : i32 to index
      %parallel_loop3A_602 = tpu.vector_load %parallel_loop3A_600[%parallel_loop3A_601] {strides = array<i32>} : memref<8192xf32, #tpu.memory_space<vmem>>, vector<16xf32>,
      %parallel_loop3A_603 = vector.shape_cast %parallel_loop3A_602 : vector<16xf32> to vector<16xf32>
      %parallel_loop3A_604 = arith.maximumf %parallel_loop3A_603, %neg3A_16 : vector<16xf32>
      %parallel_loop3A_605 = arith.minimumf %parallel_loop3A_604, %div3A_13 : vector<16xf32>
      %parallel_loop3A_606 = arith.subf %parallel_loop3A_603, %parallel_loop3A_605 : vector<16xf32>
      %parallel_loop3A_607 = arith.constant 0 : i32
      %parallel_loop3A_608 = tpu.memref_slice %arg6[%parallel_loop3A_186, %parallel_loop3A_607] : memref<4x8192xf32, #tpu.memory_space<vmem>> -> memref<1x8192xf32, #tpu.memory_space<vmem>>
      %parallel_loop3A_609 = tpu.memref_squeeze %parallel_loop3A_608 : memref<1x8192xf32, #tpu.memory_space<vmem>> -> memref<8192xf32, #tpu.memory_space<vmem>>
      %parallel_loop3A_610 = arith.index_cast %parallel_loop3A_597 : i32 to index
      %parallel_loop3A_611 = tpu.vector_load %parallel_loop3A_609[%parallel_loop3A_610] {strides = array<i32>} : memref<8192xf32, #tpu.memory_space<vmem>>, vector<16xf32>,
      %parallel_loop3A_612 = vector.shape_cast %parallel_loop3A_611 : vector<16xf32> to vector<16xf32>
      %parallel_loop3A_613 = vector.shape_cast %parallel_loop3A_606 : vector<16xf32> to vector<16xf32>
      tpu.vector_store %parallel_loop3A_609[%parallel_loop3A_610], %parallel_loop3A_613 {strides = array<i32>} : memref<8192xf32, #tpu.memory_space<vmem>>, vector<16xf32>,
    } {sc.loop_unroll_factor = 8 : i64, sc.parallel_access}
    %mul3A_187 = arith.constant 65536 : i32
    %mul3A_188 = arith.muli %add3A, %mul3A_187 : i32
    %add3A_189 = arith.constant 16384 : i32
    %add3A_190 = arith.addi %mul3A_188, %add3A_189 : i32
    %dma_start3A_191 = arith.constant 2 : i32
    %dma_start3A_192 = arith.constant 2 : i32
    %dma_start3A_193 = arith.constant 0 : i32
    %dma_start3A_194 = tpu.memref_slice %arg6[%dma_start3A_191, %dma_start3A_193] : memref<4x8192xf32, #tpu.memory_space<vmem>> -> memref<1x8192xf32, #tpu.memory_space<vmem>>
    %dma_start3A_195 = tpu.memref_squeeze %dma_start3A_194 : memref<1x8192xf32, #tpu.memory_space<vmem>> -> memref<8192xf32, #tpu.memory_space<vmem>>
    %dma_start3A_196 = tpu.memref_slice %arg4[%add3A_190] : memref<2097152xf32, #tpu.memory_space<hbm>> -> memref<8192xf32, #tpu.memory_space<hbm>>
    %dma_start3A_197 = tpu.memref_slice %arg9[%dma_start3A_192] : memref<4x!tpu.dma_semaphore, #tpu.memory_space<semaphore_mem>> -> memref<1x!tpu.dma_semaphore, #tpu.memory_space<semaphore_mem>>
    %dma_start3A_198 = tpu.memref_squeeze %dma_start3A_197 : memref<1x!tpu.dma_semaphore, #tpu.memory_space<semaphore_mem>> -> memref<!tpu.dma_semaphore, #tpu.memory_space<semaphore_mem>>
    %dma_start3A_199 = tpu.memref_slice %arg4[%add3A_190] : memref<2097152xf32, #tpu.memory_space<hbm>> -> memref<8192xf32, #tpu.memory_space<hbm>>
    %dma_start3A_200 = arith.constant 0 : i32
    %dma_start3A_201 = tpu.memref_slice %arg6[%dma_start3A_191, %dma_start3A_200] : memref<4x8192xf32, #tpu.memory_space<vmem>> -> memref<1x8192xf32, #tpu.memory_space<vmem>>
    %dma_start3A_202 = tpu.memref_squeeze %dma_start3A_201 : memref<1x8192xf32, #tpu.memory_space<vmem>> -> memref<8192xf32, #tpu.memory_space<vmem>>
    tpu.enqueue_dma source(%dma_start3A_202 : memref<8192xf32, #tpu.memory_space<vmem>>) target(%dma_start3A_199 : memref<8192xf32, #tpu.memory_space<hbm>>) target_semaphore(%dma_start3A_198 : memref<!tpu.dma_semaphore, #tpu.memory_space<semaphore_mem>>)
    %add3A_203 = arith.constant 49152 : i32
    %add3A_204 = arith.addi %add3A_4, %add3A_203 : i32
    %dma_start3A_205 = arith.constant 2 : i32
    %dma_start3A_206 = arith.constant 2 : i32
    %dma_start3A_207 = arith.constant 0 : i32
    %dma_start3A_208 = tpu.memref_slice %arg5[%dma_start3A_205, %dma_start3A_207] : memref<4x8192xf32, #tpu.memory_space<vmem>> -> memref<1x8192xf32, #tpu.memory_space<vmem>>
    %dma_start3A_209 = tpu.memref_squeeze %dma_start3A_208 : memref<1x8192xf32, #tpu.memory_space<vmem>> -> memref<8192xf32, #tpu.memory_space<vmem>>
    %dma_start3A_210 = tpu.memref_slice %arg2[%add3A_204] : memref<16777216xf32, #tpu.memory_space<hbm>> -> memref<8192xf32, #tpu.memory_space<hbm>>
    %dma_start3A_211 = tpu.memref_slice %arg8[%dma_start3A_206] : memref<4x!tpu.dma_semaphore, #tpu.memory_space<semaphore_mem>> -> memref<1x!tpu.dma_semaphore, #tpu.memory_space<semaphore_mem>>
    %dma_start3A_212 = tpu.memref_squeeze %dma_start3A_211 : memref<1x!tpu.dma_semaphore, #tpu.memory_space<semaphore_mem>> -> memref<!tpu.dma_semaphore, #tpu.memory_space<semaphore_mem>>
    %dma_start3A_213 = arith.constant 0 : i32
    %dma_start3A_214 = tpu.memref_slice %arg5[%dma_start3A_205, %dma_start3A_213] : memref<4x8192xf32, #tpu.memory_space<vmem>> -> memref<1x8192xf32, #tpu.memory_space<vmem>>
    %dma_start3A_215 = tpu.memref_squeeze %dma_start3A_214 : memref<1x8192xf32, #tpu.memory_space<vmem>> -> memref<8192xf32, #tpu.memory_space<vmem>>
    %dma_start3A_216 = tpu.memref_slice %arg2[%add3A_204] : memref<16777216xf32, #tpu.memory_space<hbm>> -> memref<8192xf32, #tpu.memory_space<hbm>>
    tpu.enqueue_dma source(%dma_start3A_216 : memref<8192xf32, #tpu.memory_space<hbm>>) target(%dma_start3A_215 : memref<8192xf32, #tpu.memory_space<vmem>>) target_semaphore(%dma_start3A_212 : memref<!tpu.dma_semaphore, #tpu.memory_space<semaphore_mem>>)
    %add3A_217 = arith.constant 24576 : i32
    %add3A_218 = arith.addi %add3A_4, %add3A_217 : i32
    %dma_wait3A_219 = arith.constant 3 : i32
    %dma_wait3A_220 = arith.constant 3 : i32
    %dma_wait3A_221 = arith.constant 0 : i32
    %dma_wait3A_222 = tpu.memref_slice %arg5[%dma_wait3A_219, %dma_wait3A_221] : memref<4x8192xf32, #tpu.memory_space<vmem>> -> memref<1x8192xf32, #tpu.memory_space<vmem>>
    %dma_wait3A_223 = tpu.memref_squeeze %dma_wait3A_222 : memref<1x8192xf32, #tpu.memory_space<vmem>> -> memref<8192xf32, #tpu.memory_space<vmem>>
    %dma_wait3A_224 = tpu.memref_slice %arg2[%add3A_218] : memref<16777216xf32, #tpu.memory_space<hbm>> -> memref<8192xf32, #tpu.memory_space<hbm>>
    %dma_wait3A_225 = tpu.memref_slice %arg8[%dma_wait3A_220] : memref<4x!tpu.dma_semaphore, #tpu.memory_space<semaphore_mem>> -> memref<1x!tpu.dma_semaphore, #tpu.memory_space<semaphore_mem>>
    %dma_wait3A_226 = tpu.memref_squeeze %dma_wait3A_225 : memref<1x!tpu.dma_semaphore, #tpu.memory_space<semaphore_mem>> -> memref<!tpu.dma_semaphore, #tpu.memory_space<semaphore_mem>>
    %dma_wait3A_227 = arith.constant 0 : i32
    %dma_wait3A_228 = tpu.memref_slice %arg5[%dma_wait3A_219, %dma_wait3A_227] : memref<4x8192xf32, #tpu.memory_space<vmem>> -> memref<1x8192xf32, #tpu.memory_space<vmem>>
    %dma_wait3A_229 = tpu.memref_squeeze %dma_wait3A_228 : memref<1x8192xf32, #tpu.memory_space<vmem>> -> memref<8192xf32, #tpu.memory_space<vmem>>
    %dma_wait3A_230 = tpu.memref_slice %arg2[%add3A_218] : memref<16777216xf32, #tpu.memory_space<hbm>> -> memref<8192xf32, #tpu.memory_space<hbm>>
    tpu.wait_dma2 semaphore(%dma_wait3A_226 : memref<!tpu.dma_semaphore, #tpu.memory_space<semaphore_mem>>) src(%dma_wait3A_230 : memref<8192xf32, #tpu.memory_space<hbm>>) dst(%dma_wait3A_229 : memref<8192xf32, #tpu.memory_space<vmem>>)
    %parallel_loop3A_231 = arith.constant 0 : i32
    %parallel_loop3A_232 = arith.constant 512 : i32
    %parallel_loop3A_233 = arith.constant 1 : i32
    %parallel_loop3A_234 = arith.constant 3 : i32
    %parallel_loop3A_235 = arith.constant 3 : i32
    scf.for %parallel_loop3A_595 = %parallel_loop3A_231 to %parallel_loop3A_232 step %parallel_loop3A_233  : i32 {
      %parallel_loop3A_596 = arith.constant 16 : i32
      %parallel_loop3A_597 = arith.muli %parallel_loop3A_595, %parallel_loop3A_596 : i32
      %parallel_loop3A_598 = arith.constant 0 : i32
      %parallel_loop3A_599 = tpu.memref_slice %arg5[%parallel_loop3A_234, %parallel_loop3A_598] : memref<4x8192xf32, #tpu.memory_space<vmem>> -> memref<1x8192xf32, #tpu.memory_space<vmem>>
      %parallel_loop3A_600 = tpu.memref_squeeze %parallel_loop3A_599 : memref<1x8192xf32, #tpu.memory_space<vmem>> -> memref<8192xf32, #tpu.memory_space<vmem>>
      %parallel_loop3A_601 = arith.index_cast %parallel_loop3A_597 : i32 to index
      %parallel_loop3A_602 = tpu.vector_load %parallel_loop3A_600[%parallel_loop3A_601] {strides = array<i32>} : memref<8192xf32, #tpu.memory_space<vmem>>, vector<16xf32>,
      %parallel_loop3A_603 = vector.shape_cast %parallel_loop3A_602 : vector<16xf32> to vector<16xf32>
      %parallel_loop3A_604 = arith.maximumf %parallel_loop3A_603, %neg3A_16 : vector<16xf32>
      %parallel_loop3A_605 = arith.minimumf %parallel_loop3A_604, %div3A_13 : vector<16xf32>
      %parallel_loop3A_606 = arith.subf %parallel_loop3A_603, %parallel_loop3A_605 : vector<16xf32>
      %parallel_loop3A_607 = arith.constant 0 : i32
      %parallel_loop3A_608 = tpu.memref_slice %arg6[%parallel_loop3A_235, %parallel_loop3A_607] : memref<4x8192xf32, #tpu.memory_space<vmem>> -> memref<1x8192xf32, #tpu.memory_space<vmem>>
      %parallel_loop3A_609 = tpu.memref_squeeze %parallel_loop3A_608 : memref<1x8192xf32, #tpu.memory_space<vmem>> -> memref<8192xf32, #tpu.memory_space<vmem>>
      %parallel_loop3A_610 = arith.index_cast %parallel_loop3A_597 : i32 to index
      %parallel_loop3A_611 = tpu.vector_load %parallel_loop3A_609[%parallel_loop3A_610] {strides = array<i32>} : memref<8192xf32, #tpu.memory_space<vmem>>, vector<16xf32>,
      %parallel_loop3A_612 = vector.shape_cast %parallel_loop3A_611 : vector<16xf32> to vector<16xf32>
      %parallel_loop3A_613 = vector.shape_cast %parallel_loop3A_606 : vector<16xf32> to vector<16xf32>
      tpu.vector_store %parallel_loop3A_609[%parallel_loop3A_610], %parallel_loop3A_613 {strides = array<i32>} : memref<8192xf32, #tpu.memory_space<vmem>>, vector<16xf32>,
    } {sc.loop_unroll_factor = 8 : i64, sc.parallel_access}
    %mul3A_236 = arith.constant 65536 : i32
    %mul3A_237 = arith.muli %add3A, %mul3A_236 : i32
    %add3A_238 = arith.constant 24576 : i32
    %add3A_239 = arith.addi %mul3A_237, %add3A_238 : i32
    %dma_start3A_240 = arith.constant 3 : i32
    %dma_start3A_241 = arith.constant 3 : i32
    %dma_start3A_242 = arith.constant 0 : i32
    %dma_start3A_243 = tpu.memref_slice %arg6[%dma_start3A_240, %dma_start3A_242] : memref<4x8192xf32, #tpu.memory_space<vmem>> -> memref<1x8192xf32, #tpu.memory_space<vmem>>
    %dma_start3A_244 = tpu.memref_squeeze %dma_start3A_243 : memref<1x8192xf32, #tpu.memory_space<vmem>> -> memref<8192xf32, #tpu.memory_space<vmem>>
    %dma_start3A_245 = tpu.memref_slice %arg4[%add3A_239] : memref<2097152xf32, #tpu.memory_space<hbm>> -> memref<8192xf32, #tpu.memory_space<hbm>>
    %dma_start3A_246 = tpu.memref_slice %arg9[%dma_start3A_241] : memref<4x!tpu.dma_semaphore, #tpu.memory_space<semaphore_mem>> -> memref<1x!tpu.dma_semaphore, #tpu.memory_space<semaphore_mem>>
    %dma_start3A_247 = tpu.memref_squeeze %dma_start3A_246 : memref<1x!tpu.dma_semaphore, #tpu.memory_space<semaphore_mem>> -> memref<!tpu.dma_semaphore, #tpu.memory_space<semaphore_mem>>
    %dma_start3A_248 = tpu.memref_slice %arg4[%add3A_239] : memref<2097152xf32, #tpu.memory_space<hbm>> -> memref<8192xf32, #tpu.memory_space<hbm>>
    %dma_start3A_249 = arith.constant 0 : i32
    %dma_start3A_250 = tpu.memref_slice %arg6[%dma_start3A_240, %dma_start3A_249] : memref<4x8192xf32, #tpu.memory_space<vmem>> -> memref<1x8192xf32, #tpu.memory_space<vmem>>
    %dma_start3A_251 = tpu.memref_squeeze %dma_start3A_250 : memref<1x8192xf32, #tpu.memory_space<vmem>> -> memref<8192xf32, #tpu.memory_space<vmem>>
    tpu.enqueue_dma source(%dma_start3A_251 : memref<8192xf32, #tpu.memory_space<vmem>>) target(%dma_start3A_248 : memref<8192xf32, #tpu.memory_space<hbm>>) target_semaphore(%dma_start3A_247 : memref<!tpu.dma_semaphore, #tpu.memory_space<semaphore_mem>>)
    %add3A_252 = arith.constant 57344 : i32
    %add3A_253 = arith.addi %add3A_4, %add3A_252 : i32
    %dma_start3A_254 = arith.constant 3 : i32
    %dma_start3A_255 = arith.constant 3 : i32
    %dma_start3A_256 = arith.constant 0 : i32
    %dma_start3A_257 = tpu.memref_slice %arg5[%dma_start3A_254, %dma_start3A_256] : memref<4x8192xf32, #tpu.memory_space<vmem>> -> memref<1x8192xf32, #tpu.memory_space<vmem>>
    %dma_start3A_258 = tpu.memref_squeeze %dma_start3A_257 : memref<1x8192xf32, #tpu.memory_space<vmem>> -> memref<8192xf32, #tpu.memory_space<vmem>>
    %dma_start3A_259 = tpu.memref_slice %arg2[%add3A_253] : memref<16777216xf32, #tpu.memory_space<hbm>> -> memref<8192xf32, #tpu.memory_space<hbm>>
    %dma_start3A_260 = tpu.memref_slice %arg8[%dma_start3A_255] : memref<4x!tpu.dma_semaphore, #tpu.memory_space<semaphore_mem>> -> memref<1x!tpu.dma_semaphore, #tpu.memory_space<semaphore_mem>>
    %dma_start3A_261 = tpu.memref_squeeze %dma_start3A_260 : memref<1x!tpu.dma_semaphore, #tpu.memory_space<semaphore_mem>> -> memref<!tpu.dma_semaphore, #tpu.memory_space<semaphore_mem>>
    %dma_start3A_262 = arith.constant 0 : i32
    %dma_start3A_263 = tpu.memref_slice %arg5[%dma_start3A_254, %dma_start3A_262] : memref<4x8192xf32, #tpu.memory_space<vmem>> -> memref<1x8192xf32, #tpu.memory_space<vmem>>
    %dma_start3A_264 = tpu.memref_squeeze %dma_start3A_263 : memref<1x8192xf32, #tpu.memory_space<vmem>> -> memref<8192xf32, #tpu.memory_space<vmem>>
    %dma_start3A_265 = tpu.memref_slice %arg2[%add3A_253] : memref<16777216xf32, #tpu.memory_space<hbm>> -> memref<8192xf32, #tpu.memory_space<hbm>>
    tpu.enqueue_dma source(%dma_start3A_265 : memref<8192xf32, #tpu.memory_space<hbm>>) target(%dma_start3A_264 : memref<8192xf32, #tpu.memory_space<vmem>>) target_semaphore(%dma_start3A_261 : memref<!tpu.dma_semaphore, #tpu.memory_space<semaphore_mem>>)
    %scan3A = arith.constant 1 : i32
    %mul3A_266 = arith.constant 4 : i32
    %mul3A_267 = arith.muli %scan3A, %mul3A_266 : i32
    %add3A_268 = arith.constant 0 : i32
    %add3A_269 = arith.addi %mul3A_267, %add3A_268 : i32
    %mul3A_270 = arith.constant 8192 : i32
    %mul3A_271 = arith.muli %add3A_269, %mul3A_270 : i32
    %add3A_272 = arith.addi %add3A_4, %mul3A_271 : i32
    %dma_wait3A_273 = arith.constant 0 : i32
    %dma_wait3A_274 = arith.constant 0 : i32
    %dma_wait3A_275 = arith.constant 0 : i32
    %dma_wait3A_276 = tpu.memref_slice %arg5[%dma_wait3A_273, %dma_wait3A_275] : memref<4x8192xf32, #tpu.memory_space<vmem>> -> memref<1x8192xf32, #tpu.memory_space<vmem>>
    %dma_wait3A_277 = tpu.memref_squeeze %dma_wait3A_276 : memref<1x8192xf32, #tpu.memory_space<vmem>> -> memref<8192xf32, #tpu.memory_space<vmem>>
    %dma_wait3A_278 = tpu.memref_slice %arg2[%add3A_272] : memref<16777216xf32, #tpu.memory_space<hbm>> -> memref<8192xf32, #tpu.memory_space<hbm>>
    %dma_wait3A_279 = tpu.memref_slice %arg8[%dma_wait3A_274] : memref<4x!tpu.dma_semaphore, #tpu.memory_space<semaphore_mem>> -> memref<1x!tpu.dma_semaphore, #tpu.memory_space<semaphore_mem>>
    %dma_wait3A_280 = tpu.memref_squeeze %dma_wait3A_279 : memref<1x!tpu.dma_semaphore, #tpu.memory_space<semaphore_mem>> -> memref<!tpu.dma_semaphore, #tpu.memory_space<semaphore_mem>>
    %dma_wait3A_281 = arith.constant 0 : i32
    %dma_wait3A_282 = tpu.memref_slice %arg5[%dma_wait3A_273, %dma_wait3A_281] : memref<4x8192xf32, #tpu.memory_space<vmem>> -> memref<1x8192xf32, #tpu.memory_space<vmem>>
    %dma_wait3A_283 = tpu.memref_squeeze %dma_wait3A_282 : memref<1x8192xf32, #tpu.memory_space<vmem>> -> memref<8192xf32, #tpu.memory_space<vmem>>
    %dma_wait3A_284 = tpu.memref_slice %arg2[%add3A_272] : memref<16777216xf32, #tpu.memory_space<hbm>> -> memref<8192xf32, #tpu.memory_space<hbm>>
    tpu.wait_dma2 semaphore(%dma_wait3A_280 : memref<!tpu.dma_semaphore, #tpu.memory_space<semaphore_mem>>) src(%dma_wait3A_284 : memref<8192xf32, #tpu.memory_space<hbm>>) dst(%dma_wait3A_283 : memref<8192xf32, #tpu.memory_space<vmem>>)
    %sub3A = arith.constant 4 : i32
    %sub3A_285 = arith.subi %add3A_269, %sub3A : i32
    %mul3A_286 = arith.constant 65536 : i32
    %mul3A_287 = arith.muli %add3A, %mul3A_286 : i32
    %mul3A_288 = arith.constant 8192 : i32
    %mul3A_289 = arith.muli %sub3A_285, %mul3A_288 : i32
    %add3A_290 = arith.addi %mul3A_287, %mul3A_289 : i32
    %dma_wait3A_291 = arith.constant 0 : i32
    %dma_wait3A_292 = arith.constant 0 : i32
    %dma_wait3A_293 = arith.constant 0 : i32
    %dma_wait3A_294 = tpu.memref_slice %arg6[%dma_wait3A_291, %dma_wait3A_293] : memref<4x8192xf32, #tpu.memory_space<vmem>> -> memref<1x8192xf32, #tpu.memory_space<vmem>>
    %dma_wait3A_295 = tpu.memref_squeeze %dma_wait3A_294 : memref<1x8192xf32, #tpu.memory_space<vmem>> -> memref<8192xf32, #tpu.memory_space<vmem>>
    %dma_wait3A_296 = tpu.memref_slice %arg4[%add3A_290] : memref<2097152xf32, #tpu.memory_space<hbm>> -> memref<8192xf32, #tpu.memory_space<hbm>>
    %dma_wait3A_297 = tpu.memref_slice %arg9[%dma_wait3A_292] : memref<4x!tpu.dma_semaphore, #tpu.memory_space<semaphore_mem>> -> memref<1x!tpu.dma_semaphore, #tpu.memory_space<semaphore_mem>>
    %dma_wait3A_298 = tpu.memref_squeeze %dma_wait3A_297 : memref<1x!tpu.dma_semaphore, #tpu.memory_space<semaphore_mem>> -> memref<!tpu.dma_semaphore, #tpu.memory_space<semaphore_mem>>
    %dma_wait3A_299 = tpu.memref_slice %arg4[%add3A_290] : memref<2097152xf32, #tpu.memory_space<hbm>> -> memref<8192xf32, #tpu.memory_space<hbm>>
    %dma_wait3A_300 = arith.constant 0 : i32
    %dma_wait3A_301 = tpu.memref_slice %arg6[%dma_wait3A_291, %dma_wait3A_300] : memref<4x8192xf32, #tpu.memory_space<vmem>> -> memref<1x8192xf32, #tpu.memory_space<vmem>>
    %dma_wait3A_302 = tpu.memref_squeeze %dma_wait3A_301 : memref<1x8192xf32, #tpu.memory_space<vmem>> -> memref<8192xf32, #tpu.memory_space<vmem>>
    tpu.wait_dma2 semaphore(%dma_wait3A_298 : memref<!tpu.dma_semaphore, #tpu.memory_space<semaphore_mem>>) src(%dma_wait3A_302 : memref<8192xf32, #tpu.memory_space<vmem>>) dst(%dma_wait3A_299 : memref<8192xf32, #tpu.memory_space<hbm>>)
    %parallel_loop3A_303 = arith.constant 0 : i32
    %parallel_loop3A_304 = arith.constant 512 : i32
    %parallel_loop3A_305 = arith.constant 1 : i32
    %parallel_loop3A_306 = arith.constant 0 : i32
    %parallel_loop3A_307 = arith.constant 0 : i32
    scf.for %parallel_loop3A_595 = %parallel_loop3A_303 to %parallel_loop3A_304 step %parallel_loop3A_305  : i32 {
      %parallel_loop3A_596 = arith.constant 16 : i32
      %parallel_loop3A_597 = arith.muli %parallel_loop3A_595, %parallel_loop3A_596 : i32
      %parallel_loop3A_598 = arith.constant 0 : i32
      %parallel_loop3A_599 = tpu.memref_slice %arg5[%parallel_loop3A_306, %parallel_loop3A_598] : memref<4x8192xf32, #tpu.memory_space<vmem>> -> memref<1x8192xf32, #tpu.memory_space<vmem>>
      %parallel_loop3A_600 = tpu.memref_squeeze %parallel_loop3A_599 : memref<1x8192xf32, #tpu.memory_space<vmem>> -> memref<8192xf32, #tpu.memory_space<vmem>>
      %parallel_loop3A_601 = arith.index_cast %parallel_loop3A_597 : i32 to index
      %parallel_loop3A_602 = tpu.vector_load %parallel_loop3A_600[%parallel_loop3A_601] {strides = array<i32>} : memref<8192xf32, #tpu.memory_space<vmem>>, vector<16xf32>,
      %parallel_loop3A_603 = vector.shape_cast %parallel_loop3A_602 : vector<16xf32> to vector<16xf32>
      %parallel_loop3A_604 = arith.maximumf %parallel_loop3A_603, %neg3A_16 : vector<16xf32>
      %parallel_loop3A_605 = arith.minimumf %parallel_loop3A_604, %div3A_13 : vector<16xf32>
      %parallel_loop3A_606 = arith.subf %parallel_loop3A_603, %parallel_loop3A_605 : vector<16xf32>
      %parallel_loop3A_607 = arith.constant 0 : i32
      %parallel_loop3A_608 = tpu.memref_slice %arg6[%parallel_loop3A_307, %parallel_loop3A_607] : memref<4x8192xf32, #tpu.memory_space<vmem>> -> memref<1x8192xf32, #tpu.memory_space<vmem>>
      %parallel_loop3A_609 = tpu.memref_squeeze %parallel_loop3A_608 : memref<1x8192xf32, #tpu.memory_space<vmem>> -> memref<8192xf32, #tpu.memory_space<vmem>>
      %parallel_loop3A_610 = arith.index_cast %parallel_loop3A_597 : i32 to index
      %parallel_loop3A_611 = tpu.vector_load %parallel_loop3A_609[%parallel_loop3A_610] {strides = array<i32>} : memref<8192xf32, #tpu.memory_space<vmem>>, vector<16xf32>,
      %parallel_loop3A_612 = vector.shape_cast %parallel_loop3A_611 : vector<16xf32> to vector<16xf32>
      %parallel_loop3A_613 = vector.shape_cast %parallel_loop3A_606 : vector<16xf32> to vector<16xf32>
      tpu.vector_store %parallel_loop3A_609[%parallel_loop3A_610], %parallel_loop3A_613 {strides = array<i32>} : memref<8192xf32, #tpu.memory_space<vmem>>, vector<16xf32>,
    } {sc.loop_unroll_factor = 8 : i64, sc.parallel_access}
    %mul3A_308 = arith.constant 65536 : i32
    %mul3A_309 = arith.muli %add3A, %mul3A_308 : i32
    %mul3A_310 = arith.constant 8192 : i32
    %mul3A_311 = arith.muli %add3A_269, %mul3A_310 : i32
    %add3A_312 = arith.addi %mul3A_309, %mul3A_311 : i32
    %dma_start3A_313 = arith.constant 0 : i32
    %dma_start3A_314 = arith.constant 0 : i32
    %dma_start3A_315 = arith.constant 0 : i32
    %dma_start3A_316 = tpu.memref_slice %arg6[%dma_start3A_313, %dma_start3A_315] : memref<4x8192xf32, #tpu.memory_space<vmem>> -> memref<1x8192xf32, #tpu.memory_space<vmem>>
    %dma_start3A_317 = tpu.memref_squeeze %dma_start3A_316 : memref<1x8192xf32, #tpu.memory_space<vmem>> -> memref<8192xf32, #tpu.memory_space<vmem>>
    %dma_start3A_318 = tpu.memref_slice %arg4[%add3A_312] : memref<2097152xf32, #tpu.memory_space<hbm>> -> memref<8192xf32, #tpu.memory_space<hbm>>
    %dma_start3A_319 = tpu.memref_slice %arg9[%dma_start3A_314] : memref<4x!tpu.dma_semaphore, #tpu.memory_space<semaphore_mem>> -> memref<1x!tpu.dma_semaphore, #tpu.memory_space<semaphore_mem>>
    %dma_start3A_320 = tpu.memref_squeeze %dma_start3A_319 : memref<1x!tpu.dma_semaphore, #tpu.memory_space<semaphore_mem>> -> memref<!tpu.dma_semaphore, #tpu.memory_space<semaphore_mem>>
    %dma_start3A_321 = tpu.memref_slice %arg4[%add3A_312] : memref<2097152xf32, #tpu.memory_space<hbm>> -> memref<8192xf32, #tpu.memory_space<hbm>>
    %dma_start3A_322 = arith.constant 0 : i32
    %dma_start3A_323 = tpu.memref_slice %arg6[%dma_start3A_313, %dma_start3A_322] : memref<4x8192xf32, #tpu.memory_space<vmem>> -> memref<1x8192xf32, #tpu.memory_space<vmem>>
    %dma_start3A_324 = tpu.memref_squeeze %dma_start3A_323 : memref<1x8192xf32, #tpu.memory_space<vmem>> -> memref<8192xf32, #tpu.memory_space<vmem>>
    tpu.enqueue_dma source(%dma_start3A_324 : memref<8192xf32, #tpu.memory_space<vmem>>) target(%dma_start3A_321 : memref<8192xf32, #tpu.memory_space<hbm>>) target_semaphore(%dma_start3A_320 : memref<!tpu.dma_semaphore, #tpu.memory_space<semaphore_mem>>)
    %add3A_325 = arith.constant 4 : i32
    %add3A_326 = arith.addi %add3A_269, %add3A_325 : i32
    %lt3A = arith.constant 8 : i32
    %lt3A_327 = arith.cmpi slt, %add3A_326, %lt3A : i32
    %convert_element_type3A = arith.extui %lt3A_327 : i1 to i32
    %cond3A = arith.constant 0 : i32
    %cond3A_328 = arith.cmpi ne, %convert_element_type3A, %cond3A : i32
    scf.if %cond3A_328 {
      %add3A_595 = arith.constant 4 : i32
      %add3A_596 = arith.addi %add3A_269, %add3A_595 : i32
      %mul3A_597 = arith.constant 8192 : i32
      %mul3A_598 = arith.muli %add3A_596, %mul3A_597 : i32
      %add3A_599 = arith.addi %add3A_4, %mul3A_598 : i32
      %dma_start3A_600 = arith.constant 0 : i32
      %dma_start3A_601 = arith.constant 0 : i32
      %dma_start3A_602 = arith.constant 0 : i32
      %dma_start3A_603 = tpu.memref_slice %arg5[%dma_start3A_600, %dma_start3A_602] : memref<4x8192xf32, #tpu.memory_space<vmem>> -> memref<1x8192xf32, #tpu.memory_space<vmem>>
      %dma_start3A_604 = tpu.memref_squeeze %dma_start3A_603 : memref<1x8192xf32, #tpu.memory_space<vmem>> -> memref<8192xf32, #tpu.memory_space<vmem>>
      %dma_start3A_605 = tpu.memref_slice %arg2[%add3A_599] : memref<16777216xf32, #tpu.memory_space<hbm>> -> memref<8192xf32, #tpu.memory_space<hbm>>
      %dma_start3A_606 = tpu.memref_slice %arg8[%dma_start3A_601] : memref<4x!tpu.dma_semaphore, #tpu.memory_space<semaphore_mem>> -> memref<1x!tpu.dma_semaphore, #tpu.memory_space<semaphore_mem>>
      %dma_start3A_607 = tpu.memref_squeeze %dma_start3A_606 : memref<1x!tpu.dma_semaphore, #tpu.memory_space<semaphore_mem>> -> memref<!tpu.dma_semaphore, #tpu.memory_space<semaphore_mem>>
      %dma_start3A_608 = arith.constant 0 : i32
      %dma_start3A_609 = tpu.memref_slice %arg5[%dma_start3A_600, %dma_start3A_608] : memref<4x8192xf32, #tpu.memory_space<vmem>> -> memref<1x8192xf32, #tpu.memory_space<vmem>>
      %dma_start3A_610 = tpu.memref_squeeze %dma_start3A_609 : memref<1x8192xf32, #tpu.memory_space<vmem>> -> memref<8192xf32, #tpu.memory_space<vmem>>
      %dma_start3A_611 = tpu.memref_slice %arg2[%add3A_599] : memref<16777216xf32, #tpu.memory_space<hbm>> -> memref<8192xf32, #tpu.memory_space<hbm>>
      tpu.enqueue_dma source(%dma_start3A_611 : memref<8192xf32, #tpu.memory_space<hbm>>) target(%dma_start3A_610 : memref<8192xf32, #tpu.memory_space<vmem>>) target_semaphore(%dma_start3A_607 : memref<!tpu.dma_semaphore, #tpu.memory_space<semaphore_mem>>)
    } else {
    }
    %mul3A_329 = arith.constant 4 : i32
    %mul3A_330 = arith.muli %scan3A, %mul3A_329 : i32
    %add3A_331 = arith.constant 1 : i32
    %add3A_332 = arith.addi %mul3A_330, %add3A_331 : i32
    %mul3A_333 = arith.constant 8192 : i32
    %mul3A_334 = arith.muli %add3A_332, %mul3A_333 : i32
    %add3A_335 = arith.addi %add3A_4, %mul3A_334 : i32
    %dma_wait3A_336 = arith.constant 1 : i32
    %dma_wait3A_337 = arith.constant 1 : i32
    %dma_wait3A_338 = arith.constant 0 : i32
    %dma_wait3A_339 = tpu.memref_slice %arg5[%dma_wait3A_336, %dma_wait3A_338] : memref<4x8192xf32, #tpu.memory_space<vmem>> -> memref<1x8192xf32, #tpu.memory_space<vmem>>
    %dma_wait3A_340 = tpu.memref_squeeze %dma_wait3A_339 : memref<1x8192xf32, #tpu.memory_space<vmem>> -> memref<8192xf32, #tpu.memory_space<vmem>>
    %dma_wait3A_341 = tpu.memref_slice %arg2[%add3A_335] : memref<16777216xf32, #tpu.memory_space<hbm>> -> memref<8192xf32, #tpu.memory_space<hbm>>
    %dma_wait3A_342 = tpu.memref_slice %arg8[%dma_wait3A_337] : memref<4x!tpu.dma_semaphore, #tpu.memory_space<semaphore_mem>> -> memref<1x!tpu.dma_semaphore, #tpu.memory_space<semaphore_mem>>
    %dma_wait3A_343 = tpu.memref_squeeze %dma_wait3A_342 : memref<1x!tpu.dma_semaphore, #tpu.memory_space<semaphore_mem>> -> memref<!tpu.dma_semaphore, #tpu.memory_space<semaphore_mem>>
    %dma_wait3A_344 = arith.constant 0 : i32
    %dma_wait3A_345 = tpu.memref_slice %arg5[%dma_wait3A_336, %dma_wait3A_344] : memref<4x8192xf32, #tpu.memory_space<vmem>> -> memref<1x8192xf32, #tpu.memory_space<vmem>>
    %dma_wait3A_346 = tpu.memref_squeeze %dma_wait3A_345 : memref<1x8192xf32, #tpu.memory_space<vmem>> -> memref<8192xf32, #tpu.memory_space<vmem>>
    %dma_wait3A_347 = tpu.memref_slice %arg2[%add3A_335] : memref<16777216xf32, #tpu.memory_space<hbm>> -> memref<8192xf32, #tpu.memory_space<hbm>>
    tpu.wait_dma2 semaphore(%dma_wait3A_343 : memref<!tpu.dma_semaphore, #tpu.memory_space<semaphore_mem>>) src(%dma_wait3A_347 : memref<8192xf32, #tpu.memory_space<hbm>>) dst(%dma_wait3A_346 : memref<8192xf32, #tpu.memory_space<vmem>>)
    %sub3A_348 = arith.constant 4 : i32
    %sub3A_349 = arith.subi %add3A_332, %sub3A_348 : i32
    %mul3A_350 = arith.constant 65536 : i32
    %mul3A_351 = arith.muli %add3A, %mul3A_350 : i32
    %mul3A_352 = arith.constant 8192 : i32
    %mul3A_353 = arith.muli %sub3A_349, %mul3A_352 : i32
    %add3A_354 = arith.addi %mul3A_351, %mul3A_353 : i32
    %dma_wait3A_355 = arith.constant 1 : i32
    %dma_wait3A_356 = arith.constant 1 : i32
    %dma_wait3A_357 = arith.constant 0 : i32
    %dma_wait3A_358 = tpu.memref_slice %arg6[%dma_wait3A_355, %dma_wait3A_357] : memref<4x8192xf32, #tpu.memory_space<vmem>> -> memref<1x8192xf32, #tpu.memory_space<vmem>>
    %dma_wait3A_359 = tpu.memref_squeeze %dma_wait3A_358 : memref<1x8192xf32, #tpu.memory_space<vmem>> -> memref<8192xf32, #tpu.memory_space<vmem>>
    %dma_wait3A_360 = tpu.memref_slice %arg4[%add3A_354] : memref<2097152xf32, #tpu.memory_space<hbm>> -> memref<8192xf32, #tpu.memory_space<hbm>>
    %dma_wait3A_361 = tpu.memref_slice %arg9[%dma_wait3A_356] : memref<4x!tpu.dma_semaphore, #tpu.memory_space<semaphore_mem>> -> memref<1x!tpu.dma_semaphore, #tpu.memory_space<semaphore_mem>>
    %dma_wait3A_362 = tpu.memref_squeeze %dma_wait3A_361 : memref<1x!tpu.dma_semaphore, #tpu.memory_space<semaphore_mem>> -> memref<!tpu.dma_semaphore, #tpu.memory_space<semaphore_mem>>
    %dma_wait3A_363 = tpu.memref_slice %arg4[%add3A_354] : memref<2097152xf32, #tpu.memory_space<hbm>> -> memref<8192xf32, #tpu.memory_space<hbm>>
    %dma_wait3A_364 = arith.constant 0 : i32
    %dma_wait3A_365 = tpu.memref_slice %arg6[%dma_wait3A_355, %dma_wait3A_364] : memref<4x8192xf32, #tpu.memory_space<vmem>> -> memref<1x8192xf32, #tpu.memory_space<vmem>>
    %dma_wait3A_366 = tpu.memref_squeeze %dma_wait3A_365 : memref<1x8192xf32, #tpu.memory_space<vmem>> -> memref<8192xf32, #tpu.memory_space<vmem>>
    tpu.wait_dma2 semaphore(%dma_wait3A_362 : memref<!tpu.dma_semaphore, #tpu.memory_space<semaphore_mem>>) src(%dma_wait3A_366 : memref<8192xf32, #tpu.memory_space<vmem>>) dst(%dma_wait3A_363 : memref<8192xf32, #tpu.memory_space<hbm>>)
    %parallel_loop3A_367 = arith.constant 0 : i32
    %parallel_loop3A_368 = arith.constant 512 : i32
    %parallel_loop3A_369 = arith.constant 1 : i32
    %parallel_loop3A_370 = arith.constant 1 : i32
    %parallel_loop3A_371 = arith.constant 1 : i32
    scf.for %parallel_loop3A_595 = %parallel_loop3A_367 to %parallel_loop3A_368 step %parallel_loop3A_369  : i32 {
      %parallel_loop3A_596 = arith.constant 16 : i32
      %parallel_loop3A_597 = arith.muli %parallel_loop3A_595, %parallel_loop3A_596 : i32
      %parallel_loop3A_598 = arith.constant 0 : i32
      %parallel_loop3A_599 = tpu.memref_slice %arg5[%parallel_loop3A_370, %parallel_loop3A_598] : memref<4x8192xf32, #tpu.memory_space<vmem>> -> memref<1x8192xf32, #tpu.memory_space<vmem>>
      %parallel_loop3A_600 = tpu.memref_squeeze %parallel_loop3A_599 : memref<1x8192xf32, #tpu.memory_space<vmem>> -> memref<8192xf32, #tpu.memory_space<vmem>>
      %parallel_loop3A_601 = arith.index_cast %parallel_loop3A_597 : i32 to index
      %parallel_loop3A_602 = tpu.vector_load %parallel_loop3A_600[%parallel_loop3A_601] {strides = array<i32>} : memref<8192xf32, #tpu.memory_space<vmem>>, vector<16xf32>,
      %parallel_loop3A_603 = vector.shape_cast %parallel_loop3A_602 : vector<16xf32> to vector<16xf32>
      %parallel_loop3A_604 = arith.maximumf %parallel_loop3A_603, %neg3A_16 : vector<16xf32>
      %parallel_loop3A_605 = arith.minimumf %parallel_loop3A_604, %div3A_13 : vector<16xf32>
      %parallel_loop3A_606 = arith.subf %parallel_loop3A_603, %parallel_loop3A_605 : vector<16xf32>
      %parallel_loop3A_607 = arith.constant 0 : i32
      %parallel_loop3A_608 = tpu.memref_slice %arg6[%parallel_loop3A_371, %parallel_loop3A_607] : memref<4x8192xf32, #tpu.memory_space<vmem>> -> memref<1x8192xf32, #tpu.memory_space<vmem>>
      %parallel_loop3A_609 = tpu.memref_squeeze %parallel_loop3A_608 : memref<1x8192xf32, #tpu.memory_space<vmem>> -> memref<8192xf32, #tpu.memory_space<vmem>>
      %parallel_loop3A_610 = arith.index_cast %parallel_loop3A_597 : i32 to index
      %parallel_loop3A_611 = tpu.vector_load %parallel_loop3A_609[%parallel_loop3A_610] {strides = array<i32>} : memref<8192xf32, #tpu.memory_space<vmem>>, vector<16xf32>,
      %parallel_loop3A_612 = vector.shape_cast %parallel_loop3A_611 : vector<16xf32> to vector<16xf32>
      %parallel_loop3A_613 = vector.shape_cast %parallel_loop3A_606 : vector<16xf32> to vector<16xf32>
      tpu.vector_store %parallel_loop3A_609[%parallel_loop3A_610], %parallel_loop3A_613 {strides = array<i32>} : memref<8192xf32, #tpu.memory_space<vmem>>, vector<16xf32>,
    } {sc.loop_unroll_factor = 8 : i64, sc.parallel_access}
    %mul3A_372 = arith.constant 65536 : i32
    %mul3A_373 = arith.muli %add3A, %mul3A_372 : i32
    %mul3A_374 = arith.constant 8192 : i32
    %mul3A_375 = arith.muli %add3A_332, %mul3A_374 : i32
    %add3A_376 = arith.addi %mul3A_373, %mul3A_375 : i32
    %dma_start3A_377 = arith.constant 1 : i32
    %dma_start3A_378 = arith.constant 1 : i32
    %dma_start3A_379 = arith.constant 0 : i32
    %dma_start3A_380 = tpu.memref_slice %arg6[%dma_start3A_377, %dma_start3A_379] : memref<4x8192xf32, #tpu.memory_space<vmem>> -> memref<1x8192xf32, #tpu.memory_space<vmem>>
    %dma_start3A_381 = tpu.memref_squeeze %dma_start3A_380 : memref<1x8192xf32, #tpu.memory_space<vmem>> -> memref<8192xf32, #tpu.memory_space<vmem>>
    %dma_start3A_382 = tpu.memref_slice %arg4[%add3A_376] : memref<2097152xf32, #tpu.memory_space<hbm>> -> memref<8192xf32, #tpu.memory_space<hbm>>
    %dma_start3A_383 = tpu.memref_slice %arg9[%dma_start3A_378] : memref<4x!tpu.dma_semaphore, #tpu.memory_space<semaphore_mem>> -> memref<1x!tpu.dma_semaphore, #tpu.memory_space<semaphore_mem>>
    %dma_start3A_384 = tpu.memref_squeeze %dma_start3A_383 : memref<1x!tpu.dma_semaphore, #tpu.memory_space<semaphore_mem>> -> memref<!tpu.dma_semaphore, #tpu.memory_space<semaphore_mem>>
    %dma_start3A_385 = tpu.memref_slice %arg4[%add3A_376] : memref<2097152xf32, #tpu.memory_space<hbm>> -> memref<8192xf32, #tpu.memory_space<hbm>>
    %dma_start3A_386 = arith.constant 0 : i32
    %dma_start3A_387 = tpu.memref_slice %arg6[%dma_start3A_377, %dma_start3A_386] : memref<4x8192xf32, #tpu.memory_space<vmem>> -> memref<1x8192xf32, #tpu.memory_space<vmem>>
    %dma_start3A_388 = tpu.memref_squeeze %dma_start3A_387 : memref<1x8192xf32, #tpu.memory_space<vmem>> -> memref<8192xf32, #tpu.memory_space<vmem>>
    tpu.enqueue_dma source(%dma_start3A_388 : memref<8192xf32, #tpu.memory_space<vmem>>) target(%dma_start3A_385 : memref<8192xf32, #tpu.memory_space<hbm>>) target_semaphore(%dma_start3A_384 : memref<!tpu.dma_semaphore, #tpu.memory_space<semaphore_mem>>)
    %add3A_389 = arith.constant 4 : i32
    %add3A_390 = arith.addi %add3A_332, %add3A_389 : i32
    %lt3A_391 = arith.constant 8 : i32
    %lt3A_392 = arith.cmpi slt, %add3A_390, %lt3A_391 : i32
    %convert_element_type3A_393 = arith.extui %lt3A_392 : i1 to i32
    %cond3A_394 = arith.constant 0 : i32
    %cond3A_395 = arith.cmpi ne, %convert_element_type3A_393, %cond3A_394 : i32
    scf.if %cond3A_395 {
      %add3A_595 = arith.constant 4 : i32
      %add3A_596 = arith.addi %add3A_332, %add3A_595 : i32
      %mul3A_597 = arith.constant 8192 : i32
      %mul3A_598 = arith.muli %add3A_596, %mul3A_597 : i32
      %add3A_599 = arith.addi %add3A_4, %mul3A_598 : i32
      %dma_start3A_600 = arith.constant 1 : i32
      %dma_start3A_601 = arith.constant 1 : i32
      %dma_start3A_602 = arith.constant 0 : i32
      %dma_start3A_603 = tpu.memref_slice %arg5[%dma_start3A_600, %dma_start3A_602] : memref<4x8192xf32, #tpu.memory_space<vmem>> -> memref<1x8192xf32, #tpu.memory_space<vmem>>
      %dma_start3A_604 = tpu.memref_squeeze %dma_start3A_603 : memref<1x8192xf32, #tpu.memory_space<vmem>> -> memref<8192xf32, #tpu.memory_space<vmem>>
      %dma_start3A_605 = tpu.memref_slice %arg2[%add3A_599] : memref<16777216xf32, #tpu.memory_space<hbm>> -> memref<8192xf32, #tpu.memory_space<hbm>>
      %dma_start3A_606 = tpu.memref_slice %arg8[%dma_start3A_601] : memref<4x!tpu.dma_semaphore, #tpu.memory_space<semaphore_mem>> -> memref<1x!tpu.dma_semaphore, #tpu.memory_space<semaphore_mem>>
      %dma_start3A_607 = tpu.memref_squeeze %dma_start3A_606 : memref<1x!tpu.dma_semaphore, #tpu.memory_space<semaphore_mem>> -> memref<!tpu.dma_semaphore, #tpu.memory_space<semaphore_mem>>
      %dma_start3A_608 = arith.constant 0 : i32
      %dma_start3A_609 = tpu.memref_slice %arg5[%dma_start3A_600, %dma_start3A_608] : memref<4x8192xf32, #tpu.memory_space<vmem>> -> memref<1x8192xf32, #tpu.memory_space<vmem>>
      %dma_start3A_610 = tpu.memref_squeeze %dma_start3A_609 : memref<1x8192xf32, #tpu.memory_space<vmem>> -> memref<8192xf32, #tpu.memory_space<vmem>>
      %dma_start3A_611 = tpu.memref_slice %arg2[%add3A_599] : memref<16777216xf32, #tpu.memory_space<hbm>> -> memref<8192xf32, #tpu.memory_space<hbm>>
      tpu.enqueue_dma source(%dma_start3A_611 : memref<8192xf32, #tpu.memory_space<hbm>>) target(%dma_start3A_610 : memref<8192xf32, #tpu.memory_space<vmem>>) target_semaphore(%dma_start3A_607 : memref<!tpu.dma_semaphore, #tpu.memory_space<semaphore_mem>>)
    } else {
    }
    %mul3A_396 = arith.constant 4 : i32
    %mul3A_397 = arith.muli %scan3A, %mul3A_396 : i32
    %add3A_398 = arith.constant 2 : i32
    %add3A_399 = arith.addi %mul3A_397, %add3A_398 : i32
    %mul3A_400 = arith.constant 8192 : i32
    %mul3A_401 = arith.muli %add3A_399, %mul3A_400 : i32
    %add3A_402 = arith.addi %add3A_4, %mul3A_401 : i32
    %dma_wait3A_403 = arith.constant 2 : i32
    %dma_wait3A_404 = arith.constant 2 : i32
    %dma_wait3A_405 = arith.constant 0 : i32
    %dma_wait3A_406 = tpu.memref_slice %arg5[%dma_wait3A_403, %dma_wait3A_405] : memref<4x8192xf32, #tpu.memory_space<vmem>> -> memref<1x8192xf32, #tpu.memory_space<vmem>>
    %dma_wait3A_407 = tpu.memref_squeeze %dma_wait3A_406 : memref<1x8192xf32, #tpu.memory_space<vmem>> -> memref<8192xf32, #tpu.memory_space<vmem>>
    %dma_wait3A_408 = tpu.memref_slice %arg2[%add3A_402] : memref<16777216xf32, #tpu.memory_space<hbm>> -> memref<8192xf32, #tpu.memory_space<hbm>>
    %dma_wait3A_409 = tpu.memref_slice %arg8[%dma_wait3A_404] : memref<4x!tpu.dma_semaphore, #tpu.memory_space<semaphore_mem>> -> memref<1x!tpu.dma_semaphore, #tpu.memory_space<semaphore_mem>>
    %dma_wait3A_410 = tpu.memref_squeeze %dma_wait3A_409 : memref<1x!tpu.dma_semaphore, #tpu.memory_space<semaphore_mem>> -> memref<!tpu.dma_semaphore, #tpu.memory_space<semaphore_mem>>
    %dma_wait3A_411 = arith.constant 0 : i32
    %dma_wait3A_412 = tpu.memref_slice %arg5[%dma_wait3A_403, %dma_wait3A_411] : memref<4x8192xf32, #tpu.memory_space<vmem>> -> memref<1x8192xf32, #tpu.memory_space<vmem>>
    %dma_wait3A_413 = tpu.memref_squeeze %dma_wait3A_412 : memref<1x8192xf32, #tpu.memory_space<vmem>> -> memref<8192xf32, #tpu.memory_space<vmem>>
    %dma_wait3A_414 = tpu.memref_slice %arg2[%add3A_402] : memref<16777216xf32, #tpu.memory_space<hbm>> -> memref<8192xf32, #tpu.memory_space<hbm>>
    tpu.wait_dma2 semaphore(%dma_wait3A_410 : memref<!tpu.dma_semaphore, #tpu.memory_space<semaphore_mem>>) src(%dma_wait3A_414 : memref<8192xf32, #tpu.memory_space<hbm>>) dst(%dma_wait3A_413 : memref<8192xf32, #tpu.memory_space<vmem>>)
    %sub3A_415 = arith.constant 4 : i32
    %sub3A_416 = arith.subi %add3A_399, %sub3A_415 : i32
    %mul3A_417 = arith.constant 65536 : i32
    %mul3A_418 = arith.muli %add3A, %mul3A_417 : i32
    %mul3A_419 = arith.constant 8192 : i32
    %mul3A_420 = arith.muli %sub3A_416, %mul3A_419 : i32
    %add3A_421 = arith.addi %mul3A_418, %mul3A_420 : i32
    %dma_wait3A_422 = arith.constant 2 : i32
    %dma_wait3A_423 = arith.constant 2 : i32
    %dma_wait3A_424 = arith.constant 0 : i32
    %dma_wait3A_425 = tpu.memref_slice %arg6[%dma_wait3A_422, %dma_wait3A_424] : memref<4x8192xf32, #tpu.memory_space<vmem>> -> memref<1x8192xf32, #tpu.memory_space<vmem>>
    %dma_wait3A_426 = tpu.memref_squeeze %dma_wait3A_425 : memref<1x8192xf32, #tpu.memory_space<vmem>> -> memref<8192xf32, #tpu.memory_space<vmem>>
    %dma_wait3A_427 = tpu.memref_slice %arg4[%add3A_421] : memref<2097152xf32, #tpu.memory_space<hbm>> -> memref<8192xf32, #tpu.memory_space<hbm>>
    %dma_wait3A_428 = tpu.memref_slice %arg9[%dma_wait3A_423] : memref<4x!tpu.dma_semaphore, #tpu.memory_space<semaphore_mem>> -> memref<1x!tpu.dma_semaphore, #tpu.memory_space<semaphore_mem>>
    %dma_wait3A_429 = tpu.memref_squeeze %dma_wait3A_428 : memref<1x!tpu.dma_semaphore, #tpu.memory_space<semaphore_mem>> -> memref<!tpu.dma_semaphore, #tpu.memory_space<semaphore_mem>>
    %dma_wait3A_430 = tpu.memref_slice %arg4[%add3A_421] : memref<2097152xf32, #tpu.memory_space<hbm>> -> memref<8192xf32, #tpu.memory_space<hbm>>
    %dma_wait3A_431 = arith.constant 0 : i32
    %dma_wait3A_432 = tpu.memref_slice %arg6[%dma_wait3A_422, %dma_wait3A_431] : memref<4x8192xf32, #tpu.memory_space<vmem>> -> memref<1x8192xf32, #tpu.memory_space<vmem>>
    %dma_wait3A_433 = tpu.memref_squeeze %dma_wait3A_432 : memref<1x8192xf32, #tpu.memory_space<vmem>> -> memref<8192xf32, #tpu.memory_space<vmem>>
    tpu.wait_dma2 semaphore(%dma_wait3A_429 : memref<!tpu.dma_semaphore, #tpu.memory_space<semaphore_mem>>) src(%dma_wait3A_433 : memref<8192xf32, #tpu.memory_space<vmem>>) dst(%dma_wait3A_430 : memref<8192xf32, #tpu.memory_space<hbm>>)
    %parallel_loop3A_434 = arith.constant 0 : i32
    %parallel_loop3A_435 = arith.constant 512 : i32
    %parallel_loop3A_436 = arith.constant 1 : i32
    %parallel_loop3A_437 = arith.constant 2 : i32
    %parallel_loop3A_438 = arith.constant 2 : i32
    scf.for %parallel_loop3A_595 = %parallel_loop3A_434 to %parallel_loop3A_435 step %parallel_loop3A_436  : i32 {
      %parallel_loop3A_596 = arith.constant 16 : i32
      %parallel_loop3A_597 = arith.muli %parallel_loop3A_595, %parallel_loop3A_596 : i32
      %parallel_loop3A_598 = arith.constant 0 : i32
      %parallel_loop3A_599 = tpu.memref_slice %arg5[%parallel_loop3A_437, %parallel_loop3A_598] : memref<4x8192xf32, #tpu.memory_space<vmem>> -> memref<1x8192xf32, #tpu.memory_space<vmem>>
      %parallel_loop3A_600 = tpu.memref_squeeze %parallel_loop3A_599 : memref<1x8192xf32, #tpu.memory_space<vmem>> -> memref<8192xf32, #tpu.memory_space<vmem>>
      %parallel_loop3A_601 = arith.index_cast %parallel_loop3A_597 : i32 to index
      %parallel_loop3A_602 = tpu.vector_load %parallel_loop3A_600[%parallel_loop3A_601] {strides = array<i32>} : memref<8192xf32, #tpu.memory_space<vmem>>, vector<16xf32>,
      %parallel_loop3A_603 = vector.shape_cast %parallel_loop3A_602 : vector<16xf32> to vector<16xf32>
      %parallel_loop3A_604 = arith.maximumf %parallel_loop3A_603, %neg3A_16 : vector<16xf32>
      %parallel_loop3A_605 = arith.minimumf %parallel_loop3A_604, %div3A_13 : vector<16xf32>
      %parallel_loop3A_606 = arith.subf %parallel_loop3A_603, %parallel_loop3A_605 : vector<16xf32>
      %parallel_loop3A_607 = arith.constant 0 : i32
      %parallel_loop3A_608 = tpu.memref_slice %arg6[%parallel_loop3A_438, %parallel_loop3A_607] : memref<4x8192xf32, #tpu.memory_space<vmem>> -> memref<1x8192xf32, #tpu.memory_space<vmem>>
      %parallel_loop3A_609 = tpu.memref_squeeze %parallel_loop3A_608 : memref<1x8192xf32, #tpu.memory_space<vmem>> -> memref<8192xf32, #tpu.memory_space<vmem>>
      %parallel_loop3A_610 = arith.index_cast %parallel_loop3A_597 : i32 to index
      %parallel_loop3A_611 = tpu.vector_load %parallel_loop3A_609[%parallel_loop3A_610] {strides = array<i32>} : memref<8192xf32, #tpu.memory_space<vmem>>, vector<16xf32>,
      %parallel_loop3A_612 = vector.shape_cast %parallel_loop3A_611 : vector<16xf32> to vector<16xf32>
      %parallel_loop3A_613 = vector.shape_cast %parallel_loop3A_606 : vector<16xf32> to vector<16xf32>
      tpu.vector_store %parallel_loop3A_609[%parallel_loop3A_610], %parallel_loop3A_613 {strides = array<i32>} : memref<8192xf32, #tpu.memory_space<vmem>>, vector<16xf32>,
    } {sc.loop_unroll_factor = 8 : i64, sc.parallel_access}
    %mul3A_439 = arith.constant 65536 : i32
    %mul3A_440 = arith.muli %add3A, %mul3A_439 : i32
    %mul3A_441 = arith.constant 8192 : i32
    %mul3A_442 = arith.muli %add3A_399, %mul3A_441 : i32
    %add3A_443 = arith.addi %mul3A_440, %mul3A_442 : i32
    %dma_start3A_444 = arith.constant 2 : i32
    %dma_start3A_445 = arith.constant 2 : i32
    %dma_start3A_446 = arith.constant 0 : i32
    %dma_start3A_447 = tpu.memref_slice %arg6[%dma_start3A_444, %dma_start3A_446] : memref<4x8192xf32, #tpu.memory_space<vmem>> -> memref<1x8192xf32, #tpu.memory_space<vmem>>
    %dma_start3A_448 = tpu.memref_squeeze %dma_start3A_447 : memref<1x8192xf32, #tpu.memory_space<vmem>> -> memref<8192xf32, #tpu.memory_space<vmem>>
    %dma_start3A_449 = tpu.memref_slice %arg4[%add3A_443] : memref<2097152xf32, #tpu.memory_space<hbm>> -> memref<8192xf32, #tpu.memory_space<hbm>>
    %dma_start3A_450 = tpu.memref_slice %arg9[%dma_start3A_445] : memref<4x!tpu.dma_semaphore, #tpu.memory_space<semaphore_mem>> -> memref<1x!tpu.dma_semaphore, #tpu.memory_space<semaphore_mem>>
    %dma_start3A_451 = tpu.memref_squeeze %dma_start3A_450 : memref<1x!tpu.dma_semaphore, #tpu.memory_space<semaphore_mem>> -> memref<!tpu.dma_semaphore, #tpu.memory_space<semaphore_mem>>
    %dma_start3A_452 = tpu.memref_slice %arg4[%add3A_443] : memref<2097152xf32, #tpu.memory_space<hbm>> -> memref<8192xf32, #tpu.memory_space<hbm>>
    %dma_start3A_453 = arith.constant 0 : i32
    %dma_start3A_454 = tpu.memref_slice %arg6[%dma_start3A_444, %dma_start3A_453] : memref<4x8192xf32, #tpu.memory_space<vmem>> -> memref<1x8192xf32, #tpu.memory_space<vmem>>
    %dma_start3A_455 = tpu.memref_squeeze %dma_start3A_454 : memref<1x8192xf32, #tpu.memory_space<vmem>> -> memref<8192xf32, #tpu.memory_space<vmem>>
    tpu.enqueue_dma source(%dma_start3A_455 : memref<8192xf32, #tpu.memory_space<vmem>>) target(%dma_start3A_452 : memref<8192xf32, #tpu.memory_space<hbm>>) target_semaphore(%dma_start3A_451 : memref<!tpu.dma_semaphore, #tpu.memory_space<semaphore_mem>>)
    %add3A_456 = arith.constant 4 : i32
    %add3A_457 = arith.addi %add3A_399, %add3A_456 : i32
    %lt3A_458 = arith.constant 8 : i32
    %lt3A_459 = arith.cmpi slt, %add3A_457, %lt3A_458 : i32
    %convert_element_type3A_460 = arith.extui %lt3A_459 : i1 to i32
    %cond3A_461 = arith.constant 0 : i32
    %cond3A_462 = arith.cmpi ne, %convert_element_type3A_460, %cond3A_461 : i32
    scf.if %cond3A_462 {
      %add3A_595 = arith.constant 4 : i32
      %add3A_596 = arith.addi %add3A_399, %add3A_595 : i32
      %mul3A_597 = arith.constant 8192 : i32
      %mul3A_598 = arith.muli %add3A_596, %mul3A_597 : i32
      %add3A_599 = arith.addi %add3A_4, %mul3A_598 : i32
      %dma_start3A_600 = arith.constant 2 : i32
      %dma_start3A_601 = arith.constant 2 : i32
      %dma_start3A_602 = arith.constant 0 : i32
      %dma_start3A_603 = tpu.memref_slice %arg5[%dma_start3A_600, %dma_start3A_602] : memref<4x8192xf32, #tpu.memory_space<vmem>> -> memref<1x8192xf32, #tpu.memory_space<vmem>>
      %dma_start3A_604 = tpu.memref_squeeze %dma_start3A_603 : memref<1x8192xf32, #tpu.memory_space<vmem>> -> memref<8192xf32, #tpu.memory_space<vmem>>
      %dma_start3A_605 = tpu.memref_slice %arg2[%add3A_599] : memref<16777216xf32, #tpu.memory_space<hbm>> -> memref<8192xf32, #tpu.memory_space<hbm>>
      %dma_start3A_606 = tpu.memref_slice %arg8[%dma_start3A_601] : memref<4x!tpu.dma_semaphore, #tpu.memory_space<semaphore_mem>> -> memref<1x!tpu.dma_semaphore, #tpu.memory_space<semaphore_mem>>
      %dma_start3A_607 = tpu.memref_squeeze %dma_start3A_606 : memref<1x!tpu.dma_semaphore, #tpu.memory_space<semaphore_mem>> -> memref<!tpu.dma_semaphore, #tpu.memory_space<semaphore_mem>>
      %dma_start3A_608 = arith.constant 0 : i32
      %dma_start3A_609 = tpu.memref_slice %arg5[%dma_start3A_600, %dma_start3A_608] : memref<4x8192xf32, #tpu.memory_space<vmem>> -> memref<1x8192xf32, #tpu.memory_space<vmem>>
      %dma_start3A_610 = tpu.memref_squeeze %dma_start3A_609 : memref<1x8192xf32, #tpu.memory_space<vmem>> -> memref<8192xf32, #tpu.memory_space<vmem>>
      %dma_start3A_611 = tpu.memref_slice %arg2[%add3A_599] : memref<16777216xf32, #tpu.memory_space<hbm>> -> memref<8192xf32, #tpu.memory_space<hbm>>
      tpu.enqueue_dma source(%dma_start3A_611 : memref<8192xf32, #tpu.memory_space<hbm>>) target(%dma_start3A_610 : memref<8192xf32, #tpu.memory_space<vmem>>) target_semaphore(%dma_start3A_607 : memref<!tpu.dma_semaphore, #tpu.memory_space<semaphore_mem>>)
    } else {
    }
    %mul3A_463 = arith.constant 4 : i32
    %mul3A_464 = arith.muli %scan3A, %mul3A_463 : i32
    %add3A_465 = arith.constant 3 : i32
    %add3A_466 = arith.addi %mul3A_464, %add3A_465 : i32
    %mul3A_467 = arith.constant 8192 : i32
    %mul3A_468 = arith.muli %add3A_466, %mul3A_467 : i32
    %add3A_469 = arith.addi %add3A_4, %mul3A_468 : i32
    %dma_wait3A_470 = arith.constant 3 : i32
    %dma_wait3A_471 = arith.constant 3 : i32
    %dma_wait3A_472 = arith.constant 0 : i32
    %dma_wait3A_473 = tpu.memref_slice %arg5[%dma_wait3A_470, %dma_wait3A_472] : memref<4x8192xf32, #tpu.memory_space<vmem>> -> memref<1x8192xf32, #tpu.memory_space<vmem>>
    %dma_wait3A_474 = tpu.memref_squeeze %dma_wait3A_473 : memref<1x8192xf32, #tpu.memory_space<vmem>> -> memref<8192xf32, #tpu.memory_space<vmem>>
    %dma_wait3A_475 = tpu.memref_slice %arg2[%add3A_469] : memref<16777216xf32, #tpu.memory_space<hbm>> -> memref<8192xf32, #tpu.memory_space<hbm>>
    %dma_wait3A_476 = tpu.memref_slice %arg8[%dma_wait3A_471] : memref<4x!tpu.dma_semaphore, #tpu.memory_space<semaphore_mem>> -> memref<1x!tpu.dma_semaphore, #tpu.memory_space<semaphore_mem>>
    %dma_wait3A_477 = tpu.memref_squeeze %dma_wait3A_476 : memref<1x!tpu.dma_semaphore, #tpu.memory_space<semaphore_mem>> -> memref<!tpu.dma_semaphore, #tpu.memory_space<semaphore_mem>>
    %dma_wait3A_478 = arith.constant 0 : i32
    %dma_wait3A_479 = tpu.memref_slice %arg5[%dma_wait3A_470, %dma_wait3A_478] : memref<4x8192xf32, #tpu.memory_space<vmem>> -> memref<1x8192xf32, #tpu.memory_space<vmem>>
    %dma_wait3A_480 = tpu.memref_squeeze %dma_wait3A_479 : memref<1x8192xf32, #tpu.memory_space<vmem>> -> memref<8192xf32, #tpu.memory_space<vmem>>
    %dma_wait3A_481 = tpu.memref_slice %arg2[%add3A_469] : memref<16777216xf32, #tpu.memory_space<hbm>> -> memref<8192xf32, #tpu.memory_space<hbm>>
    tpu.wait_dma2 semaphore(%dma_wait3A_477 : memref<!tpu.dma_semaphore, #tpu.memory_space<semaphore_mem>>) src(%dma_wait3A_481 : memref<8192xf32, #tpu.memory_space<hbm>>) dst(%dma_wait3A_480 : memref<8192xf32, #tpu.memory_space<vmem>>)
    %sub3A_482 = arith.constant 4 : i32
    %sub3A_483 = arith.subi %add3A_466, %sub3A_482 : i32
    %mul3A_484 = arith.constant 65536 : i32
    %mul3A_485 = arith.muli %add3A, %mul3A_484 : i32
    %mul3A_486 = arith.constant 8192 : i32
    %mul3A_487 = arith.muli %sub3A_483, %mul3A_486 : i32
    %add3A_488 = arith.addi %mul3A_485, %mul3A_487 : i32
    %dma_wait3A_489 = arith.constant 3 : i32
    %dma_wait3A_490 = arith.constant 3 : i32
    %dma_wait3A_491 = arith.constant 0 : i32
    %dma_wait3A_492 = tpu.memref_slice %arg6[%dma_wait3A_489, %dma_wait3A_491] : memref<4x8192xf32, #tpu.memory_space<vmem>> -> memref<1x8192xf32, #tpu.memory_space<vmem>>
    %dma_wait3A_493 = tpu.memref_squeeze %dma_wait3A_492 : memref<1x8192xf32, #tpu.memory_space<vmem>> -> memref<8192xf32, #tpu.memory_space<vmem>>
    %dma_wait3A_494 = tpu.memref_slice %arg4[%add3A_488] : memref<2097152xf32, #tpu.memory_space<hbm>> -> memref<8192xf32, #tpu.memory_space<hbm>>
    %dma_wait3A_495 = tpu.memref_slice %arg9[%dma_wait3A_490] : memref<4x!tpu.dma_semaphore, #tpu.memory_space<semaphore_mem>> -> memref<1x!tpu.dma_semaphore, #tpu.memory_space<semaphore_mem>>
    %dma_wait3A_496 = tpu.memref_squeeze %dma_wait3A_495 : memref<1x!tpu.dma_semaphore, #tpu.memory_space<semaphore_mem>> -> memref<!tpu.dma_semaphore, #tpu.memory_space<semaphore_mem>>
    %dma_wait3A_497 = tpu.memref_slice %arg4[%add3A_488] : memref<2097152xf32, #tpu.memory_space<hbm>> -> memref<8192xf32, #tpu.memory_space<hbm>>
    %dma_wait3A_498 = arith.constant 0 : i32
    %dma_wait3A_499 = tpu.memref_slice %arg6[%dma_wait3A_489, %dma_wait3A_498] : memref<4x8192xf32, #tpu.memory_space<vmem>> -> memref<1x8192xf32, #tpu.memory_space<vmem>>
    %dma_wait3A_500 = tpu.memref_squeeze %dma_wait3A_499 : memref<1x8192xf32, #tpu.memory_space<vmem>> -> memref<8192xf32, #tpu.memory_space<vmem>>
    tpu.wait_dma2 semaphore(%dma_wait3A_496 : memref<!tpu.dma_semaphore, #tpu.memory_space<semaphore_mem>>) src(%dma_wait3A_500 : memref<8192xf32, #tpu.memory_space<vmem>>) dst(%dma_wait3A_497 : memref<8192xf32, #tpu.memory_space<hbm>>)
    %parallel_loop3A_501 = arith.constant 0 : i32
    %parallel_loop3A_502 = arith.constant 512 : i32
    %parallel_loop3A_503 = arith.constant 1 : i32
    %parallel_loop3A_504 = arith.constant 3 : i32
    %parallel_loop3A_505 = arith.constant 3 : i32
    scf.for %parallel_loop3A_595 = %parallel_loop3A_501 to %parallel_loop3A_502 step %parallel_loop3A_503  : i32 {
      %parallel_loop3A_596 = arith.constant 16 : i32
      %parallel_loop3A_597 = arith.muli %parallel_loop3A_595, %parallel_loop3A_596 : i32
      %parallel_loop3A_598 = arith.constant 0 : i32
      %parallel_loop3A_599 = tpu.memref_slice %arg5[%parallel_loop3A_504, %parallel_loop3A_598] : memref<4x8192xf32, #tpu.memory_space<vmem>> -> memref<1x8192xf32, #tpu.memory_space<vmem>>
      %parallel_loop3A_600 = tpu.memref_squeeze %parallel_loop3A_599 : memref<1x8192xf32, #tpu.memory_space<vmem>> -> memref<8192xf32, #tpu.memory_space<vmem>>
      %parallel_loop3A_601 = arith.index_cast %parallel_loop3A_597 : i32 to index
      %parallel_loop3A_602 = tpu.vector_load %parallel_loop3A_600[%parallel_loop3A_601] {strides = array<i32>} : memref<8192xf32, #tpu.memory_space<vmem>>, vector<16xf32>,
      %parallel_loop3A_603 = vector.shape_cast %parallel_loop3A_602 : vector<16xf32> to vector<16xf32>
      %parallel_loop3A_604 = arith.maximumf %parallel_loop3A_603, %neg3A_16 : vector<16xf32>
      %parallel_loop3A_605 = arith.minimumf %parallel_loop3A_604, %div3A_13 : vector<16xf32>
      %parallel_loop3A_606 = arith.subf %parallel_loop3A_603, %parallel_loop3A_605 : vector<16xf32>
      %parallel_loop3A_607 = arith.constant 0 : i32
      %parallel_loop3A_608 = tpu.memref_slice %arg6[%parallel_loop3A_505, %parallel_loop3A_607] : memref<4x8192xf32, #tpu.memory_space<vmem>> -> memref<1x8192xf32, #tpu.memory_space<vmem>>
      %parallel_loop3A_609 = tpu.memref_squeeze %parallel_loop3A_608 : memref<1x8192xf32, #tpu.memory_space<vmem>> -> memref<8192xf32, #tpu.memory_space<vmem>>
      %parallel_loop3A_610 = arith.index_cast %parallel_loop3A_597 : i32 to index
      %parallel_loop3A_611 = tpu.vector_load %parallel_loop3A_609[%parallel_loop3A_610] {strides = array<i32>} : memref<8192xf32, #tpu.memory_space<vmem>>, vector<16xf32>,
      %parallel_loop3A_612 = vector.shape_cast %parallel_loop3A_611 : vector<16xf32> to vector<16xf32>
      %parallel_loop3A_613 = vector.shape_cast %parallel_loop3A_606 : vector<16xf32> to vector<16xf32>
      tpu.vector_store %parallel_loop3A_609[%parallel_loop3A_610], %parallel_loop3A_613 {strides = array<i32>} : memref<8192xf32, #tpu.memory_space<vmem>>, vector<16xf32>,
    } {sc.loop_unroll_factor = 8 : i64, sc.parallel_access}
    %mul3A_506 = arith.constant 65536 : i32
    %mul3A_507 = arith.muli %add3A, %mul3A_506 : i32
    %mul3A_508 = arith.constant 8192 : i32
    %mul3A_509 = arith.muli %add3A_466, %mul3A_508 : i32
    %add3A_510 = arith.addi %mul3A_507, %mul3A_509 : i32
    %dma_start3A_511 = arith.constant 3 : i32
    %dma_start3A_512 = arith.constant 3 : i32
    %dma_start3A_513 = arith.constant 0 : i32
    %dma_start3A_514 = tpu.memref_slice %arg6[%dma_start3A_511, %dma_start3A_513] : memref<4x8192xf32, #tpu.memory_space<vmem>> -> memref<1x8192xf32, #tpu.memory_space<vmem>>
    %dma_start3A_515 = tpu.memref_squeeze %dma_start3A_514 : memref<1x8192xf32, #tpu.memory_space<vmem>> -> memref<8192xf32, #tpu.memory_space<vmem>>
    %dma_start3A_516 = tpu.memref_slice %arg4[%add3A_510] : memref<2097152xf32, #tpu.memory_space<hbm>> -> memref<8192xf32, #tpu.memory_space<hbm>>
    %dma_start3A_517 = tpu.memref_slice %arg9[%dma_start3A_512] : memref<4x!tpu.dma_semaphore, #tpu.memory_space<semaphore_mem>> -> memref<1x!tpu.dma_semaphore, #tpu.memory_space<semaphore_mem>>
    %dma_start3A_518 = tpu.memref_squeeze %dma_start3A_517 : memref<1x!tpu.dma_semaphore, #tpu.memory_space<semaphore_mem>> -> memref<!tpu.dma_semaphore, #tpu.memory_space<semaphore_mem>>
    %dma_start3A_519 = tpu.memref_slice %arg4[%add3A_510] : memref<2097152xf32, #tpu.memory_space<hbm>> -> memref<8192xf32, #tpu.memory_space<hbm>>
    %dma_start3A_520 = arith.constant 0 : i32
    %dma_start3A_521 = tpu.memref_slice %arg6[%dma_start3A_511, %dma_start3A_520] : memref<4x8192xf32, #tpu.memory_space<vmem>> -> memref<1x8192xf32, #tpu.memory_space<vmem>>
    %dma_start3A_522 = tpu.memref_squeeze %dma_start3A_521 : memref<1x8192xf32, #tpu.memory_space<vmem>> -> memref<8192xf32, #tpu.memory_space<vmem>>
    tpu.enqueue_dma source(%dma_start3A_522 : memref<8192xf32, #tpu.memory_space<vmem>>) target(%dma_start3A_519 : memref<8192xf32, #tpu.memory_space<hbm>>) target_semaphore(%dma_start3A_518 : memref<!tpu.dma_semaphore, #tpu.memory_space<semaphore_mem>>)
    %add3A_523 = arith.constant 4 : i32
    %add3A_524 = arith.addi %add3A_466, %add3A_523 : i32
    %lt3A_525 = arith.constant 8 : i32
    %lt3A_526 = arith.cmpi slt, %add3A_524, %lt3A_525 : i32
    %convert_element_type3A_527 = arith.extui %lt3A_526 : i1 to i32
    %cond3A_528 = arith.constant 0 : i32
    %cond3A_529 = arith.cmpi ne, %convert_element_type3A_527, %cond3A_528 : i32
    scf.if %cond3A_529 {
      %add3A_595 = arith.constant 4 : i32
      %add3A_596 = arith.addi %add3A_466, %add3A_595 : i32
      %mul3A_597 = arith.constant 8192 : i32
      %mul3A_598 = arith.muli %add3A_596, %mul3A_597 : i32
      %add3A_599 = arith.addi %add3A_4, %mul3A_598 : i32
      %dma_start3A_600 = arith.constant 3 : i32
      %dma_start3A_601 = arith.constant 3 : i32
      %dma_start3A_602 = arith.constant 0 : i32
      %dma_start3A_603 = tpu.memref_slice %arg5[%dma_start3A_600, %dma_start3A_602] : memref<4x8192xf32, #tpu.memory_space<vmem>> -> memref<1x8192xf32, #tpu.memory_space<vmem>>
      %dma_start3A_604 = tpu.memref_squeeze %dma_start3A_603 : memref<1x8192xf32, #tpu.memory_space<vmem>> -> memref<8192xf32, #tpu.memory_space<vmem>>
      %dma_start3A_605 = tpu.memref_slice %arg2[%add3A_599] : memref<16777216xf32, #tpu.memory_space<hbm>> -> memref<8192xf32, #tpu.memory_space<hbm>>
      %dma_start3A_606 = tpu.memref_slice %arg8[%dma_start3A_601] : memref<4x!tpu.dma_semaphore, #tpu.memory_space<semaphore_mem>> -> memref<1x!tpu.dma_semaphore, #tpu.memory_space<semaphore_mem>>
      %dma_start3A_607 = tpu.memref_squeeze %dma_start3A_606 : memref<1x!tpu.dma_semaphore, #tpu.memory_space<semaphore_mem>> -> memref<!tpu.dma_semaphore, #tpu.memory_space<semaphore_mem>>
      %dma_start3A_608 = arith.constant 0 : i32
      %dma_start3A_609 = tpu.memref_slice %arg5[%dma_start3A_600, %dma_start3A_608] : memref<4x8192xf32, #tpu.memory_space<vmem>> -> memref<1x8192xf32, #tpu.memory_space<vmem>>
      %dma_start3A_610 = tpu.memref_squeeze %dma_start3A_609 : memref<1x8192xf32, #tpu.memory_space<vmem>> -> memref<8192xf32, #tpu.memory_space<vmem>>
      %dma_start3A_611 = tpu.memref_slice %arg2[%add3A_599] : memref<16777216xf32, #tpu.memory_space<hbm>> -> memref<8192xf32, #tpu.memory_space<hbm>>
      tpu.enqueue_dma source(%dma_start3A_611 : memref<8192xf32, #tpu.memory_space<hbm>>) target(%dma_start3A_610 : memref<8192xf32, #tpu.memory_space<vmem>>) target_semaphore(%dma_start3A_607 : memref<!tpu.dma_semaphore, #tpu.memory_space<semaphore_mem>>)
    } else {
    }
    %scan3A_530 = arith.constant 1 : i32
    %mul3A_531 = arith.constant 65536 : i32
    %mul3A_532 = arith.muli %add3A, %mul3A_531 : i32
    %add3A_533 = arith.constant 32768 : i32
    %add3A_534 = arith.addi %mul3A_532, %add3A_533 : i32
    %dma_wait3A_535 = arith.constant 0 : i32
    %dma_wait3A_536 = arith.constant 0 : i32
    %dma_wait3A_537 = arith.constant 0 : i32
    %dma_wait3A_538 = tpu.memref_slice %arg6[%dma_wait3A_535, %dma_wait3A_537] : memref<4x8192xf32, #tpu.memory_space<vmem>> -> memref<1x8192xf32, #tpu.memory_space<vmem>>
    %dma_wait3A_539 = tpu.memref_squeeze %dma_wait3A_538 : memref<1x8192xf32, #tpu.memory_space<vmem>> -> memref<8192xf32, #tpu.memory_space<vmem>>
    %dma_wait3A_540 = tpu.memref_slice %arg4[%add3A_534] : memref<2097152xf32, #tpu.memory_space<hbm>> -> memref<8192xf32, #tpu.memory_space<hbm>>
    %dma_wait3A_541 = tpu.memref_slice %arg9[%dma_wait3A_536] : memref<4x!tpu.dma_semaphore, #tpu.memory_space<semaphore_mem>> -> memref<1x!tpu.dma_semaphore, #tpu.memory_space<semaphore_mem>>
    %dma_wait3A_542 = tpu.memref_squeeze %dma_wait3A_541 : memref<1x!tpu.dma_semaphore, #tpu.memory_space<semaphore_mem>> -> memref<!tpu.dma_semaphore, #tpu.memory_space<semaphore_mem>>
    %dma_wait3A_543 = tpu.memref_slice %arg4[%add3A_534] : memref<2097152xf32, #tpu.memory_space<hbm>> -> memref<8192xf32, #tpu.memory_space<hbm>>
    %dma_wait3A_544 = arith.constant 0 : i32
    %dma_wait3A_545 = tpu.memref_slice %arg6[%dma_wait3A_535, %dma_wait3A_544] : memref<4x8192xf32, #tpu.memory_space<vmem>> -> memref<1x8192xf32, #tpu.memory_space<vmem>>
    %dma_wait3A_546 = tpu.memref_squeeze %dma_wait3A_545 : memref<1x8192xf32, #tpu.memory_space<vmem>> -> memref<8192xf32, #tpu.memory_space<vmem>>
    tpu.wait_dma2 semaphore(%dma_wait3A_542 : memref<!tpu.dma_semaphore, #tpu.memory_space<semaphore_mem>>) src(%dma_wait3A_546 : memref<8192xf32, #tpu.memory_space<vmem>>) dst(%dma_wait3A_543 : memref<8192xf32, #tpu.memory_space<hbm>>)
    %mul3A_547 = arith.constant 65536 : i32
    %mul3A_548 = arith.muli %add3A, %mul3A_547 : i32
    %add3A_549 = arith.constant 40960 : i32
    %add3A_550 = arith.addi %mul3A_548, %add3A_549 : i32
    %dma_wait3A_551 = arith.constant 1 : i32
    %dma_wait3A_552 = arith.constant 1 : i32
    %dma_wait3A_553 = arith.constant 0 : i32
    %dma_wait3A_554 = tpu.memref_slice %arg6[%dma_wait3A_551, %dma_wait3A_553] : memref<4x8192xf32, #tpu.memory_space<vmem>> -> memref<1x8192xf32, #tpu.memory_space<vmem>>
    %dma_wait3A_555 = tpu.memref_squeeze %dma_wait3A_554 : memref<1x8192xf32, #tpu.memory_space<vmem>> -> memref<8192xf32, #tpu.memory_space<vmem>>
    %dma_wait3A_556 = tpu.memref_slice %arg4[%add3A_550] : memref<2097152xf32, #tpu.memory_space<hbm>> -> memref<8192xf32, #tpu.memory_space<hbm>>
    %dma_wait3A_557 = tpu.memref_slice %arg9[%dma_wait3A_552] : memref<4x!tpu.dma_semaphore, #tpu.memory_space<semaphore_mem>> -> memref<1x!tpu.dma_semaphore, #tpu.memory_space<semaphore_mem>>
    %dma_wait3A_558 = tpu.memref_squeeze %dma_wait3A_557 : memref<1x!tpu.dma_semaphore, #tpu.memory_space<semaphore_mem>> -> memref<!tpu.dma_semaphore, #tpu.memory_space<semaphore_mem>>
    %dma_wait3A_559 = tpu.memref_slice %arg4[%add3A_550] : memref<2097152xf32, #tpu.memory_space<hbm>> -> memref<8192xf32, #tpu.memory_space<hbm>>
    %dma_wait3A_560 = arith.constant 0 : i32
    %dma_wait3A_561 = tpu.memref_slice %arg6[%dma_wait3A_551, %dma_wait3A_560] : memref<4x8192xf32, #tpu.memory_space<vmem>> -> memref<1x8192xf32, #tpu.memory_space<vmem>>
    %dma_wait3A_562 = tpu.memref_squeeze %dma_wait3A_561 : memref<1x8192xf32, #tpu.memory_space<vmem>> -> memref<8192xf32, #tpu.memory_space<vmem>>
    tpu.wait_dma2 semaphore(%dma_wait3A_558 : memref<!tpu.dma_semaphore, #tpu.memory_space<semaphore_mem>>) src(%dma_wait3A_562 : memref<8192xf32, #tpu.memory_space<vmem>>) dst(%dma_wait3A_559 : memref<8192xf32, #tpu.memory_space<hbm>>)
    %mul3A_563 = arith.constant 65536 : i32
    %mul3A_564 = arith.muli %add3A, %mul3A_563 : i32
    %add3A_565 = arith.constant 49152 : i32
    %add3A_566 = arith.addi %mul3A_564, %add3A_565 : i32
    %dma_wait3A_567 = arith.constant 2 : i32
    %dma_wait3A_568 = arith.constant 2 : i32
    %dma_wait3A_569 = arith.constant 0 : i32
    %dma_wait3A_570 = tpu.memref_slice %arg6[%dma_wait3A_567, %dma_wait3A_569] : memref<4x8192xf32, #tpu.memory_space<vmem>> -> memref<1x8192xf32, #tpu.memory_space<vmem>>
    %dma_wait3A_571 = tpu.memref_squeeze %dma_wait3A_570 : memref<1x8192xf32, #tpu.memory_space<vmem>> -> memref<8192xf32, #tpu.memory_space<vmem>>
    %dma_wait3A_572 = tpu.memref_slice %arg4[%add3A_566] : memref<2097152xf32, #tpu.memory_space<hbm>> -> memref<8192xf32, #tpu.memory_space<hbm>>
    %dma_wait3A_573 = tpu.memref_slice %arg9[%dma_wait3A_568] : memref<4x!tpu.dma_semaphore, #tpu.memory_space<semaphore_mem>> -> memref<1x!tpu.dma_semaphore, #tpu.memory_space<semaphore_mem>>
    %dma_wait3A_574 = tpu.memref_squeeze %dma_wait3A_573 : memref<1x!tpu.dma_semaphore, #tpu.memory_space<semaphore_mem>> -> memref<!tpu.dma_semaphore, #tpu.memory_space<semaphore_mem>>
    %dma_wait3A_575 = tpu.memref_slice %arg4[%add3A_566] : memref<2097152xf32, #tpu.memory_space<hbm>> -> memref<8192xf32, #tpu.memory_space<hbm>>
    %dma_wait3A_576 = arith.constant 0 : i32
    %dma_wait3A_577 = tpu.memref_slice %arg6[%dma_wait3A_567, %dma_wait3A_576] : memref<4x8192xf32, #tpu.memory_space<vmem>> -> memref<1x8192xf32, #tpu.memory_space<vmem>>
    %dma_wait3A_578 = tpu.memref_squeeze %dma_wait3A_577 : memref<1x8192xf32, #tpu.memory_space<vmem>> -> memref<8192xf32, #tpu.memory_space<vmem>>
    tpu.wait_dma2 semaphore(%dma_wait3A_574 : memref<!tpu.dma_semaphore, #tpu.memory_space<semaphore_mem>>) src(%dma_wait3A_578 : memref<8192xf32, #tpu.memory_space<vmem>>) dst(%dma_wait3A_575 : memref<8192xf32, #tpu.memory_space<hbm>>)
    %mul3A_579 = arith.constant 65536 : i32
    %mul3A_580 = arith.muli %add3A, %mul3A_579 : i32
    %add3A_581 = arith.constant 57344 : i32
    %add3A_582 = arith.addi %mul3A_580, %add3A_581 : i32
    %dma_wait3A_583 = arith.constant 3 : i32
    %dma_wait3A_584 = arith.constant 3 : i32
    %dma_wait3A_585 = arith.constant 0 : i32
    %dma_wait3A_586 = tpu.memref_slice %arg6[%dma_wait3A_583, %dma_wait3A_585] : memref<4x8192xf32, #tpu.memory_space<vmem>> -> memref<1x8192xf32, #tpu.memory_space<vmem>>
    %dma_wait3A_587 = tpu.memref_squeeze %dma_wait3A_586 : memref<1x8192xf32, #tpu.memory_space<vmem>> -> memref<8192xf32, #tpu.memory_space<vmem>>
    %dma_wait3A_588 = tpu.memref_slice %arg4[%add3A_582] : memref<2097152xf32, #tpu.memory_space<hbm>> -> memref<8192xf32, #tpu.memory_space<hbm>>
    %dma_wait3A_589 = tpu.memref_slice %arg9[%dma_wait3A_584] : memref<4x!tpu.dma_semaphore, #tpu.memory_space<semaphore_mem>> -> memref<1x!tpu.dma_semaphore, #tpu.memory_space<semaphore_mem>>
    %dma_wait3A_590 = tpu.memref_squeeze %dma_wait3A_589 : memref<1x!tpu.dma_semaphore, #tpu.memory_space<semaphore_mem>> -> memref<!tpu.dma_semaphore, #tpu.memory_space<semaphore_mem>>
    %dma_wait3A_591 = tpu.memref_slice %arg4[%add3A_582] : memref<2097152xf32, #tpu.memory_space<hbm>> -> memref<8192xf32, #tpu.memory_space<hbm>>
    %dma_wait3A_592 = arith.constant 0 : i32
    %dma_wait3A_593 = tpu.memref_slice %arg6[%dma_wait3A_583, %dma_wait3A_592] : memref<4x8192xf32, #tpu.memory_space<vmem>> -> memref<1x8192xf32, #tpu.memory_space<vmem>>
    %dma_wait3A_594 = tpu.memref_squeeze %dma_wait3A_593 : memref<1x8192xf32, #tpu.memory_space<vmem>> -> memref<8192xf32, #tpu.memory_space<vmem>>
    tpu.wait_dma2 semaphore(%dma_wait3A_590 : memref<!tpu.dma_semaphore, #tpu.memory_space<semaphore_mem>>) src(%dma_wait3A_594 : memref<8192xf32, #tpu.memory_space<vmem>>) dst(%dma_wait3A_591 : memref<8192xf32, #tpu.memory_space<hbm>>)
    return
  }
}

module attributes {stable_mosaic.version = 14 : i64} {
  func.func @_tc_body(%arg0: i32, %arg1: memref<1x1xf32, #tpu.memory_space<smem>>, %arg2: memref<512x4096xf32, #tpu.memory_space<vmem>>, %arg3: memref<512x4096xf32, #tpu.memory_space<vmem>>, %arg4: memref<1xf32, #tpu.memory_space<smem>>) attributes {dimension_semantics = [#tpu.dimension_semantics<arbitrary>], iteration_bounds = array<i64: 7>, scalar_prefetch = 0 : i64, scratch_operands = 1 : i64, tpu.core_type = #tpu.core_type<tc>, window_params = [{transform_indices = @transform_0, window_bounds = array<i64: 1, 1>}, {transform_indices = @transform_1, window_bounds = array<i64: 512, 4096>}, {transform_indices = @transform_2, window_bounds = array<i64: 512, 4096>}]} {
    %eq3A = arith.constant 0 : i32
    %eq3A_0 = arith.cmpi eq, %arg0, %eq3A : i32
    %convert_element_type3A = arith.extui %eq3A_0 : i1 to i32
    %cond3A = arith.constant 0 : i32
    %cond3A_1 = arith.cmpi ne, %convert_element_type3A, %cond3A : i32
    scf.if %cond3A_1 {
      %get3A_11 = arith.constant 0 : index
      %get3A_12 = arith.constant 0 : index
      %get3A_13 = memref.load %arg1[%get3A_11, %get3A_12] : memref<1x1xf32, #tpu.memory_space<smem>>
      %logistic3A = arith.negf %get3A_13 : f32
      %logistic3A_14 = math.exp %logistic3A : f32
      %logistic3A_15 = arith.constant 1.000000e+00 : f32
      %logistic3A_16 = arith.addf %logistic3A_15, %logistic3A_14 : f32
      %logistic3A_17 = arith.divf %logistic3A_15, %logistic3A_16 : f32
      %swap3A_18 = arith.constant 0 : index
      %swap3A_19 = memref.load %arg4[%swap3A_18] : memref<1xf32, #tpu.memory_space<smem>>
      memref.store %logistic3A_17, %arg4[%swap3A_18] : memref<1xf32, #tpu.memory_space<smem>>
    } else {
    }
    %get3A = arith.constant 0 : index
    %get3A_2 = memref.load %arg4[%get3A] : memref<1xf32, #tpu.memory_space<smem>>
    %get3A_3 = arith.constant 0 : index
    %get3A_4 = arith.constant 0 : index
    %get3A_5 = vector.load %arg2[%get3A_3, %get3A_4] : memref<512x4096xf32, #tpu.memory_space<vmem>>, vector<512x4096xf32>
    %neg3A = arith.constant 0.000000e+00 : f32
    %neg3A_6 = arith.subf %neg3A, %get3A_2 : f32
    %max3A = vector.broadcast %neg3A_6 : f32 to vector<512x4096xf32>
    %max3A_7 = arith.maximumf %get3A_5, %max3A : vector<512x4096xf32>
    %min3A = vector.broadcast %get3A_2 : f32 to vector<512x4096xf32>
    %min3A_8 = arith.minimumf %max3A_7, %min3A : vector<512x4096xf32>
    %sub3A = arith.subf %get3A_5, %min3A_8 : vector<512x4096xf32>
    %swap3A = arith.constant 0 : index
    %swap3A_9 = arith.constant 0 : index
    %swap3A_10 = vector.load %arg3[%swap3A, %swap3A_9] : memref<512x4096xf32, #tpu.memory_space<vmem>>, vector<512x4096xf32>
    tpu.vector_store %arg3[%swap3A, %swap3A_9], %sub3A {strides = array<i32>} : memref<512x4096xf32, #tpu.memory_space<vmem>>, vector<512x4096xf32>,
    return
  }
  func.func @transform_0(%arg0: i32) -> (i32, i32) {
    %c0_i32 = arith.constant 0 : i32
    %c0_i32_0 = arith.constant 0 : i32
    %c0_i32_1 = arith.constant 0 : i32
    return %c0_i32, %c0_i32_0 : i32, i32
  }
  func.func @transform_1(%arg0: i32) -> (i32, i32) {
    %c0_i32 = arith.constant 0 : i32
    %c0_i32_0 = arith.constant 0 : i32
    return %arg0, %c0_i32 : i32, i32
  }
  func.func @transform_2(%arg0: i32) -> (i32, i32) {
    %c0_i32 = arith.constant 0 : i32
    %c0_i32_0 = arith.constant 0 : i32
    return %arg0, %c0_i32 : i32, i32
  }
}

</mosaic_0001>

<sc_bundles>
// kernel: kernel.4.cloned.1.call-start
scs
__scs_entry_jumppad:
0x0: {  	(pc) =	sbr.rel $0x88, $3  }
0x1: {  	(tag) =	ssettag $0x0;
	lr =	simm.s32 $0x1  }
0x2: {  	[smem:$0x3F9F] =	sst lr;
	_ =	strace $0xD0000000  }
0x3: {  	_ = 	snop  }
0x4: {  	_ = 	snop  }
0x5: {  	_ = 	snop  }
0x6: {  	_ = 	snop  }
0x7: {  	_ = 	snop  }
__scs_overlays_trampoline_lowered:
0x8: {  	[smem:$0x3FAE] =	sst s0  }
0x9: {  	[smem:$0x3FAF] =	sst s1  }
0xa: {  	[smem:$0x3FB0] =	sst s2  }
0xb: {  	[smem:$0x3FB1] =	sst s3  }
0xc: {  	[smem:$0x3FB2] =	sst s4  }
0xd: {  	[smem:$0x3FB3] =	sst s5  }
0xe: {  	[smem:$0x3FB4] =	sst s6  }
0xf: {  	[smem:$0x3FB5] =	sst s7  }
0x10: {  	[smem:$0x3FB6] =	sst s8  }
0x11: {  	[smem:$0x3FB7] =	sst s9;
	s0 =	simm.s32 @!p0 $0x0  }
0x12: {  	s1 =	sld [smem:$0x3F9D];
	s0 =	simm.s32 @p0 $0x1  }
0x13: {  	[smem:$0x3FB8] =	sst s0;
	s0 =	simm.s32 @!p1 $0x0  }
0x14: {  	s2 =	sld [smem:$0x3F9C];
	s0 =	simm.s32 @p1 $0x1  }
0x15: {  	[smem:$0x3FB9] =	sst s0;
	s0 =	simm.s32 @!p2 $0x0  }
0x16: {  	s3 =	sld [smem:$0x3FDB];
	s0 =	simm.s32 @p2 $0x1  }
0x17: {  	s4 =	simm.s32 $0x1BF5;
	[smem:$0x3FBB] =	sst s0  }
0x18: {  	s0 =	sld [smem:$0x3F9E];
	_ =	swait.ge [sflag:s4], $0x0  }
0x19: {  	s7 =	sld [smem:$0x3F9F]  }
0x1a: {  	s8 =	sadd.s32 $0xFFFFE003, lr  }
0x1b: {  	s9 =	sadd.s32 $0xFFFFFEF7, lr;
	s5 =	simm.s32 $0xFFFFFFFF;
	p2 =	slt.u32 s8, $0xFFFFF086  }
0x1c: {  	p1 =	slt.u32 s9, $0xF7A;
	s5 =	simm.s32 @!p2 $0x0  }
0x1d: {  	s5 =	simm.s32 @p1 $0x1;
	p0 =	seq.s32 s7, s2  }
0x1e: {  	s7 =	smul.u32 @!p0 $0xF7A, s2;
	p2 =	seq.s32 @!p0 s5, $0x0  }
0x1f: {  	s9 =	smul.u32 $0xF7A, s1;
	s8 =	simm.s32 @!p0 $0x1BF5;
	p2 =	por !p2, p0  }
0x20: {  	[sflag:s8] =	ssyncset.s32 @!p0 $0xFFFFF086;
	s6 =	sadd.s32 @!p0 s3, s7;
	s7 =	simm.s32 @!p0 $0x108  }
0x21: {  	s3 =	sadd.s32 s3, s9;
	s6 =	sadd.s32 @!p0 $0x88, s6;
	s7 =	simm.s32 @p2 $0x1082  }
0x22: {  	[simem:s7], [sflag:s8] =	dma.local @!p0 [hbm:s6], $0xF7A  }
0x23: {  	s9 =	sor.u32 $0xD0000000, s2;
	s6 =	simm.s32 $0x108;
	_ =	swait.ge @!p0 [sflag:s8], $0x0  }
0x24: {  	s3 =	sadd.s32 $0x88, s3;
	s6 =	simm.s32 @!p1 $0x1082;
	[sflag:s4] =	ssyncset.s32 $0xFFFFF086  }
0x25: {  	[simem:s6], [sflag:s4] =	dma.local [hbm:s3], $0xF7A  }
0x26: {  	[smem:$0x3F9F] =	sst s1;
	(tag) =	ssettag s2;
	_ =	strace s9  }
0x27: {  	s1 =	sld [smem:$0x3FAF]  }
0x28: {  	s2 =	sld [smem:$0x3FB0]  }
0x29: {  	s4 =	sld [smem:$0x3FB2]  }
0x2a: {  	p0 =	seq.s32 s5, $0x0;
	s5 =	sld [smem:$0x3FB3]  }
0x2b: {  	s6 =	sld [smem:$0x3FB4]  }
0x2c: {  	s7 =	sld [smem:$0x3FB5]  }
0x2d: {  	s3 =	simm.s32 $0x108;
	s8 =	sld [smem:$0x3FB6]  }
0x2e: {  	s3 =	simm.s32 @!p0 $0x1082;
	s9 =	sld [smem:$0x3FB7]  }
0x2f: {  	lr =	sadd.s32 s0, s3;
	s0 =	sld [smem:$0x3FAE]  }
0x30: {  	s3 =	sld [smem:$0x3FB1]  }
0x31: {  	[smem:$0x3FBA] =	sst s10  }
0x32: {  	s10 =	sld [smem:$0x3FB8];
	_ =	sdelay $0x3  }
0x33: {  	p0 =	seq.s32 s10, $0x1;
	s10 =	sld [smem:$0x3FBA];
	_ =	sdelay $0x3  }
0x34: {  	[smem:$0x3FBA] =	sst s10  }
0x35: {  	s10 =	sld [smem:$0x3FB9];
	_ =	sdelay $0x3  }
0x36: {  	p1 =	seq.s32 s10, $0x1;
	s10 =	sld [smem:$0x3FBA];
	_ =	sdelay $0x3  }
0x37: {  	[smem:$0x3FBA] =	sst s10  }
0x38: {  	s10 =	sld [smem:$0x3FBB]  }
0x39: {  	_ = 	snop;
	(pc) =	sbr.ind lr, $3  }
0x3a: {  	_ = 	snop  }
0x3b: {  	_ = 	snop  }
0x3c: {  	p2 =	seq.s32 s10, $0x1;
	s10 =	sld [smem:$0x3FBA]  }
0x3d: {  	_ =	shalt  }
0x3e: {  	_ =	shalt  }
0x3f: {  	_ =	shalt  }
0x40: {  	_ =	shalt  }
0x41: {  	_ =	shalt  }
0x42: {  	_ =	shalt  }
0x43: {  	_ =	shalt  }
0x44: {  	_ =	shalt  }
0x45: {  	_ =	shalt  }
0x46: {  	_ =	shalt  }
0x47: {  	_ =	shalt  }
0x48: {  	_ =	shalt  }
0x49: {  	_ =	shalt  }
0x4a: {  	_ =	shalt  }
0x4b: {  	_ =	shalt  }
0x4c: {  	_ =	shalt  }
0x4d: {  	_ =	shalt  }
0x4e: {  	_ =	shalt  }
0x4f: {  	_ =	shalt  }
0x50: {  	_ =	shalt  }
0x51: {  	_ =	shalt  }
0x52: {  	_ =	shalt  }
0x53: {  	_ =	shalt  }
0x54: {  	_ =	shalt  }
0x55: {  	_ =	shalt  }
0x56: {  	_ =	shalt  }
0x57: {  	_ =	shalt  }
0x58: {  	_ =	shalt  }
0x59: {  	_ =	shalt  }
0x5a: {  	_ =	shalt  }
0x5b: {  	_ =	shalt  }
0x5c: {  	_ =	shalt  }
0x5d: {  	_ =	shalt  }
0x5e: {  	_ =	shalt  }
0x5f: {  	_ =	shalt  }
0x60: {  	_ =	shalt  }
0x61: {  	_ =	shalt  }
0x62: {  	_ =	shalt  }
0x63: {  	_ =	shalt  }
0x64: {  	_ =	shalt  }
0x65: {  	_ =	shalt  }
0x66: {  	_ =	shalt  }
0x67: {  	_ =	shalt  }
0x68: {  	_ =	shalt  }
0x69: {  	_ =	shalt  }
0x6a: {  	_ =	shalt  }
0x6b: {  	_ =	shalt  }
0x6c: {  	_ =	shalt  }
0x6d: {  	_ =	shalt  }
0x6e: {  	_ =	shalt  }
0x6f: {  	_ =	shalt  }
0x70: {  	_ =	shalt  }
0x71: {  	_ =	shalt  }
0x72: {  	_ =	shalt  }
0x73: {  	_ =	shalt  }
0x74: {  	_ =	shalt  }
0x75: {  	_ =	shalt  }
0x76: {  	_ =	shalt  }
0x77: {  	_ =	shalt  }
0x78: {  	_ =	shalt  }
0x79: {  	_ =	shalt  }
0x7a: {  	_ =	shalt  }
0x7b: {  	_ =	shalt  }
0x7c: {  	_ =	shalt  }
0x7d: {  	_ =	shalt  }
0x7e: {  	_ =	shalt  }
0x7f: {  	_ =	shalt  }
0x80: {  	_ =	shalt  }
0x81: {  	_ =	shalt  }
0x82: {  	_ =	shalt  }
0x83: {  	_ =	shalt  }
0x84: {  	_ =	shalt  }
0x85: {  	_ =	shalt  }
0x86: {  	_ =	shalt  }
0x87: {  	_ =	shalt  }
.Lfunc_end0:
.L_simem_size_0:
called_computation.1_lowered:
.L_overlay_start_0:
0x88: {  	s2 =	sld [smem:$0x3FD9]  }
0x89: {  	s3 =	sld [smem:$0x3FFE];
	_ =	sdelay $0x1  }
0x8a: {  	s1 =	srdreg.scid  }
0x8b: {  	s0 =	sand.u32 $0x1, s1  }
0x8c: {  	s17 =	sshll.u32 s0, $0xA;
	s2 =	sadd.s32 s3, s2  }
0x8d: {  	s2 =	sadd.s32 s2, s17  }
0x8e: {  	[smem:$0x3FC6] =	sst s2  }
0x8f: {  	_ = 	snop  }
0x90: {  	s2 =	sld [smem:$0x3FD0];
	(tm) =	ssettm $0x1  }
0x91: {  	s18 =	sld [smem:$0x3FFB];
	_ =	sdelay $0x3  }
0x92: {  	_ =	strace s18  }
0x93: {  	s3 =	sld [smem:$0x3FFC];
	_ =	sdelay $0x3  }
0x94: {  	_ =	strace s3  }
0x95: {  	s3 =	sld [smem:$0x3FFD];
	_ =	sdelay $0x3  }
0x96: {  	_ =	strace s3  }
0x97: {  	_ =	strace $0x8FFFFFFF  }
0x98: {  	s19 =	sld [smem:$0x3FDB];
	_ =	sdelay $0x1  }
0x99: {  	s4 =	simm.s32 $_scs_section_size  }
0x9a: {  	s5 =	simm.s32 $_size__tile_overlayer_lowered;
	s6 =	simm.s32 $_tile_overlayer_lowered  }
0x9b: {  	s22 =	simm.s32 $0x1BFF;
	s21 =	sshll.u32 s6, $0x1;
	s3 =	sadd.s32 s4, s19  }
0x9c: {  	s7 =	simm.s32 $0x0;
	s20 =	sshll.u32 s5, $0x1;
	s5 =	sadd.s32 s21, s3  }
0x9d: {  	[timem:s7], [sflag:s22] =	dma.local [hbm:s5], s20  }
0x9e: {  	_ =	swait.ge [sflag:s22], s20  }
0x9f: {  	s4 =	ssub.s32 $0x0, s20;
	[sflag:s22] =	ssyncset.done $0x0  }
0xa0: {  	[sflag:s22] =	ssyncadd.s32 s4;
	_ =	sdelay $0x1  }
0xa1: {  	s23 =	simm.s32 $0x1B8B  }
0xa2: {  	_ =	swait.ge [sflag:s23], $0x1  }
0xa3: {  	[sflag:s23] =	ssyncset.done $0x0  }
0xa4: {  	s25 =	simm.s32 $0x1B8E;
	s24 =	sld [smem:$0x3FFE];
	[sflag:s23] =	ssyncadd.s32 $0xFFFFFFFF  }
0xa5: {  	s26 =	simm.s32 $execute0_lowered;
	[smem:$0x3FD2] =	sst s25  }
0xa6: {  	s5 =	sshll.u32 s26, $0x1;
	_ =	strace $0x80000049;
	[dreg:$0x1] =	wrdreg $0xFFFFFFFF  }
0xa7: {  	s28 =	simm.s32 $_size_execute0_lowered;
	s3 =	sadd.s32 s3, s5;
	[dreg:$0x0] =	wrdreg $0x0  }
0xa8: {  	s5 =	sshll.u32 s28, $0x1;
	[dreg:$0x2] =	wrdreg s3  }
0xa9: {  	[dreg:$0x3] =	wrdreg s5  }
0xaa: {  	[dreg:$0x4] =	wrdreg $0xC0  }
0xab: {  	_ =	task [dreg:s7], $0x5FFFF  }
0xac: {  	[dreg:$0x1] =	wrdreg $0xFFFFFFFF  }
0xad: {  	[dreg:$0x0] =	wrdreg $0x60  }
0xae: {  	[dreg:$0x2] =	wrdreg s2  }
0xaf: {  	[dreg:$0x3] =	wrdreg s24  }
0xb0: {  	[dreg:$0x4] =	wrdreg $0x9  }
0xb1: {  	_ =	task.clear_ibuf [dreg:s7], $0x5FFFF;
	_ =	strace $0x90000049  }
0xb2: {  	s29 =	simm.s32 $0x9;
	_ =	strace $0x8000004B  }
0xb3: {  	_ =	swait.ge [sflag:s29], $0x1  }
0xb4: {  	[sflag:s29] =	ssyncadd.s32 $0xFFFFFFFF  }
0xb5: {  	_ =	strace $0x9000004B  }
0xb6: {  	_ =	sfence  }
0xb7: {  	s30 =	sld [smem:$0x0];
	_ =	sdelay $0x2  }
0xb8: {  	s31 =	sshll.u32 s1, $0xD;
	s1 =	sshrl.u32 s1, $0x2  }
0xb9: {  	s3 =	sand.u32 $0x4000, s31;
	s1 =	sadd.s32 s1, s30  }
0xba: {  	s0 =	sor.u32 s3, s0;
	s1 =	sshll.u32 s1, $0x11  }
0xbb: {  	s0 =	sor.u32 s1, s0  }
0xbc: {  	s0 =	sadd.s32 $0x8F2B, s0  }
0xbd: {  	[sflag:s0] =	ssyncadd.remote.s32 $0x1  }
0xbe: {  	_ =	sfence.sel $0xFFFF  }
0xbf: {  	[dreg:$0x0] =	wrdreg $0xFFFFFFFF;
	(pc) =	sbr.abs _section_cstart, $3  }
0xc0: {  	[dreg:$0x1] =	wrdreg $0xFFFFFFFF  }
0xc1: {  	_ =	task.clear_ibuf [dreg:s7], $0x2FFFF;
	_ =	strace $0x9FFFFFFF  }
0xc2: {  	(tm) =	ssettm $0x7FFFFFFF  }
0xc3: {  	_ =	shalt  }
tec
execute0_lowered:
.L_overlay_start_1:
0x0: {  	(tag) =	ssettag $0x1  }
0x1: {  	s0 =	rddreg [dreg:$0x0]  }
0x2: {  	s1 =	rddreg [dreg:$0x1];
	s3 =	srdreg.scid;
	s2 =	simm.s32 $0x0  }
0x3: {  	s4 =	stileid.u32;
	s22 =	simm.s32 $0x9;
	s23 =	simm.s32 $0x1  }
0x4: {  	s24 =	simm.s32 $0x2;
	s28 =	simm.s32 $0x5;
	s29 =	simm.s32 $0x6  }
0x5: {  	s30 =	simm.s32 $0x7;
	s31 =	simm.s32 $0x8;
	s3 =	sand.u32 $0x1, s3  }
0x6: {  	[smem:$0x7FF] =	sst s2;
	s4 =	sshll.u32 s4, $0xE;
	s6 =	sadd.s32 $0xA00, s1  }
0x7: {  	s5 =	sshll.u32 s3, $0xD;
	_ =	strace $0x8000004A;
	s3 =	ssub.s32 $0x2, s3  }
0x8: {  	[dreg:$0x3] =	wrdreg s6;
	s4 =	sor.u32 s5, s4;
	s25 =	sshrl.u32 s3, $0x1  }
0x9: {  	s1 =	sadd.s32 s4, s1;
	s0 =	sadd.s32 s4, s0;
	s3 =	ssub.s32 s3, s25  }
0xa: {  	s25 =	simm.s32 $0x3;
	s4 =	sadd.s32 $0x1C0000, s0;
	s5 =	sadd.s32 $0x1C0400, s0  }
0xb: {  	s6 =	sadd.s32 $0x1C0800, s0;
	s7 =	sadd.s32 $0x1C0C00, s0;
	s8 =	sadd.s32 $0xC00, s1  }
0xc: {  	s9 =	sadd.s32 $0x1C1000, s0;
	s10 =	sadd.s32 $0x1000, s1;
	s11 =	sadd.s32 $0x1C1400, s0  }
0xd: {  	s12 =	sadd.s32 $0x1400, s1;
	s13 =	sadd.s32 $0x1C1800, s0;
	s14 =	sadd.s32 $0x1800, s1  }
0xe: {  	s15 =	sadd.s32 $0x1C1C00, s0;
	s16 =	sadd.s32 $0x1C00, s1;
	s17 =	sadd.s32 $0x2000, s1  }
0xf: {  	s18 =	sadd.s32 $0x2400, s1;
	s19 =	sadd.s32 $0x2800, s1;
	s26 =	smax.u32 s3, $0x1  }
0x10: {  	s0 =	simm.s32 $0x0;
	[dreg:$0x4] =	wrdreg s26;
	s26 =	simm.s32 $0x4  }
.LBB2_1:
0x11: {  	s1 =	rddreg [dreg:$0x3];
	s3 =	simm.s32 $0x10000  }
0x12: {  	[tilespmem:s3], [sflag:$0x9] =	stream.linear.gather [hbm4b:s1+s2], $0x80, $0x38;
	[tilespmem:$0x10080] =	vst v63  }
0x13: {  	_ =	swait.ge [sflag:s22], $0x80  }
0x14: {  	[sflag:s22] =	ssyncset.done $0x0  }
0x15: {  	s20 =	sadd.s32 $0x0, s4;
	[sflag:s22] =	ssyncadd.s32 $0xFFFFFF80  }
0x16: {  	s21 =	simm.s32 $0x0;
	s1 =	simm.s32 $0x10;
	s3 =	simm.s32 $0x200;
	v0 =	vld [tilespmem:$0x10000]  }
.LBB2_2:
0x17: {  	[tilespmem:s21], [sflag:$0x1] =	stream.linear.gather [hbm4b:s20+s2], $0x80, $0x38;
	[tilespmem:$0x10080] =	vst v63  }
0x18: {  	s20 =	smov.u32 s1;
	s21 =	smov.u32 s3;
	p0 =	sne.s32 s1, $0x3F0  }
.Ltmp0:
0x19: {  	s1 =	sadd.s32 $0x10, s1;
	(pc) =	sbr.rel @p0 .LBB2_2-.Ltmp0, $2  }
0x1a: {  	_ =	sdelay $0x2  }
0x1b: {  	s3 =	sadd.s32 $0x200, s3;
	s20 =	sadd.s32 s20, s4  }
0x1c: {  	[tilespmem:s21], [sflag:$0x1] =	stream.linear.gather [hbm4b:s20+s2], $0x80, $0x38;
	[tilespmem:$0x10080] =	vst v63  }
0x1d: {  	s1 =	simm.s32 $0x80  }
0x1e: {  	s3 =	simm.s32 $0x10;
	s20 =	sadd.s32 $0x0, s5;
	s21 =	simm.s32 $0x280  }
.LBB2_4:
0x1f: {  	[tilespmem:s1], [sflag:$0x2] =	stream.linear.gather [hbm4b:s20+s2], $0x80, $0x38;
	[tilespmem:$0x10080] =	vst v63  }
0x20: {  	s20 =	smov.u32 s3;
	s1 =	smov.u32 s21;
	p0 =	sne.s32 s3, $0x3F0  }
.Ltmp1:
0x21: {  	s3 =	sadd.s32 $0x10, s3;
	(pc) =	sbr.rel @p0 .LBB2_4-.Ltmp1, $2  }
0x22: {  	_ =	sdelay $0x2  }
0x23: {  	s21 =	sadd.s32 $0x200, s21;
	s20 =	sadd.s32 s20, s5  }
0x24: {  	[tilespmem:s1], [sflag:$0x2] =	stream.linear.gather [hbm4b:s20+s2], $0x80, $0x38;
	[tilespmem:$0x10080] =	vst v63  }
0x25: {  	s1 =	simm.s32 $0x100  }
0x26: {  	s3 =	simm.s32 $0x10;
	s20 =	sadd.s32 $0x0, s6;
	s21 =	simm.s32 $0x300  }
.LBB2_6:
0x27: {  	[tilespmem:s1], [sflag:$0x3] =	stream.linear.gather [hbm4b:s20+s2], $0x80, $0x38;
	[tilespmem:$0x10080] =	vst v63  }
0x28: {  	s20 =	smov.u32 s3;
	s1 =	smov.u32 s21;
	p0 =	sne.s32 s3, $0x3F0  }
.Ltmp2:
0x29: {  	s3 =	sadd.s32 $0x10, s3;
	(pc) =	sbr.rel @p0 .LBB2_6-.Ltmp2, $2  }
0x2a: {  	_ =	sdelay $0x2  }
0x2b: {  	s21 =	sadd.s32 $0x200, s21;
	s20 =	sadd.s32 s20, s6  }
0x2c: {  	[tilespmem:s1], [sflag:$0x3] =	stream.linear.gather [hbm4b:s20+s2], $0x80, $0x38;
	[tilespmem:$0x10080] =	vst v63  }
0x2d: {  	s1 =	simm.s32 $0x180  }
0x2e: {  	s3 =	simm.s32 $0x10;
	s20 =	sadd.s32 $0x0, s7;
	s21 =	simm.s32 $0x380  }
.LBB2_8:
0x2f: {  	[tilespmem:s1], [sflag:$0x4] =	stream.linear.gather [hbm4b:s20+s2], $0x80, $0x38;
	[tilespmem:$0x10080] =	vst v63  }
0x30: {  	s20 =	smov.u32 s3;
	s1 =	smov.u32 s21;
	p0 =	sne.s32 s3, $0x3F0  }
.Ltmp3:
0x31: {  	s3 =	sadd.s32 $0x10, s3;
	(pc) =	sbr.rel @p0 .LBB2_8-.Ltmp3, $2  }
0x32: {  	_ =	sdelay $0x2  }
0x33: {  	s21 =	sadd.s32 $0x200, s21;
	s20 =	sadd.s32 s20, s7  }
0x34: {  	v0 =	vsub.f32 $0.0e+00, v0;
	_ =	sdelay $0x1  }
0x35: {  	v0 =	vmul.f32 $1.442695020e+00, v0;
	_ =	sdelay $0x1  }
0x36: {  	(erf) = vpow2.f32 v0;
	_ =	sdelay $0x8  }
0x37: {  	v0 =	vpop (erf)  }
0x38: {  	v0 =	vadd.f32 $1.000000000e+00, v0;
	_ =	sdelay $0x1  }
0x39: {  	(erf) = vrcp.f32 v0;
	_ =	sdelay $0x8  }
0x3a: {  	[tilespmem:s1], [sflag:$0x4] =	stream.linear.gather [hbm4b:s20+s2], $0x80, $0x38;
	v0 =	vpop (erf);
	[tilespmem:$0x10080] =	vst v63  }
0x3b: {  	_ =	swait.ge [sflag:s23], $0x2000  }
0x3c: {  	[sflag:s23] =	ssyncset.done $0x0  }
0x3d: {  	s21 =	simm.s32 $0x40;
	[sflag:s23] =	ssyncadd.s32 $0xFFFFE000  }
0x3e: {  	v2 =	vld [tilespmem:s21+$0x30]  }
0x3f: {  	v3 =	vld [tilespmem:s21+$0xFFFFFFD0]  }
0x40: {  	v4 =	vld [tilespmem:s21+$0xFFFFFFE0]  }
0x41: {  	v1 =	vsub.f32 $0.0e+00, v0;
	v5 =	vld [tilespmem:s21+$0xFFFFFFF0]  }
0x42: {  	v7 =	vld [tilespmem:s21+$0x0]  }
0x43: {  	v8 =	vld [tilespmem:s21+$0x10];
	v6 =	vmax.f32 v2, v1  }
0x44: {  	v10 =	vld [tilespmem:s21+$0x20];
	v9 =	vmax.f32 v3, v1;
	v6 =	vmin.f32 v6, v0  }
0x45: {  	s3 =	simm.s32 $0x240;
	v11 =	vld [tilespmem:s21+$0xFFFFFFC0];
	v12 =	vmax.f32 v4, v1;
	v9 =	vmin.f32 v9, v0;
	v2 =	vsub.f32 v2, v6  }
0x46: {  	s1 =	simm.s32 $0x8040;
	v13 =	vld [tilespmem:s3+$0x30];
	v3 =	vsub.f32 v3, v9;
	v9 =	vmin.f32 v12, v0;
	v12 =	vmax.f32 v5, v1  }
0x47: {  	v14 =	vmax.f32 v7, v1;
	v6 =	vld [tilespmem:s3+$0xFFFFFFD0];
	v9 =	vsub.f32 v4, v9;
	v12 =	vmin.f32 v12, v0;
	[tilespmem:s1+$0x30] =	vst v2  }
0x48: {  	v4 =	vld [tilespmem:s3+$0xFFFFFFE0];
	[tilespmem:s1+$0xFFFFFFD0] =	vst v3;
	v3 =	vsub.f32 v5, v12;
	v5 =	vmin.f32 v14, v0;
	v12 =	vmax.f32 v8, v1  }
0x49: {  	v2 =	vld [tilespmem:s3+$0xFFFFFFF0];
	[tilespmem:s1+$0xFFFFFFE0] =	vst v9;
	v7 =	vsub.f32 v7, v5;
	v9 =	vmin.f32 v12, v0;
	v12 =	vmax.f32 v10, v1  }
0x4a: {  	v14 =	vmax.f32 v11, v1;
	v5 =	vld [tilespmem:s3+$0x0];
	[tilespmem:s1+$0xFFFFFFF0] =	vst v3;
	v8 =	vsub.f32 v8, v9;
	v9 =	vmin.f32 v12, v0  }
0x4b: {  	v14 =	vmin.f32 v14, v0;
	v3 =	vld [tilespmem:s3+$0x10];
	v12 =	vmax.f32 v13, v1;
	[tilespmem:s1+$0x0] =	vst v7;
	v15 =	vsub.f32 v10, v9  }
0x4c: {  	v9 =	vmax.f32 v6, v1;
	v7 =	vld [tilespmem:s3+$0x20];
	v16 =	vmin.f32 v12, v0;
	v10 =	vsub.f32 v11, v14;
	[tilespmem:s1+$0x10] =	vst v8  }
0x4d: {  	s21 =	simm.s32 $0x8;
	v8 =	vld [tilespmem:s3+$0xFFFFFFC0];
	v11 =	vmin.f32 v9, v0;
	v12 =	vmax.f32 v4, v1;
	v9 =	vsub.f32 v13, v16;
	s3 =	simm.s32 $0x440;
	[tilespmem:s1+$0x20] =	vst v15  }
.LBB2_10:
0x4e: {  	v13 =	vld [tilespmem:s3+$0x30];
	s21 =	sadd.s32 $0x8, s21;
	v11 =	vsub.f32 v6, v11;
	v12 =	vmin.f32 v12, v0;
	v14 =	vmax.f32 v2, v1;
	[tilespmem:s1+$0xFFFFFFC0] =	vst v10;
	s1 =	sadd.s32 $0x200, s1  }
0x4f: {  	v6 =	vld [tilespmem:s3+$0xFFFFFFD0];
	p0 =	slt.u32 s21, $0x1F8;
	v10 =	vsub.f32 v4, v12;
	v12 =	vmin.f32 v14, v0;
	v14 =	vmax.f32 v5, v1;
	[tilespmem:s1+$0x30] =	vst v9  }
0x50: {  	v4 =	vld [tilespmem:s3+$0xFFFFFFE0];
	[tilespmem:s1+$0xFFFFFFD0] =	vst v11;
	v9 =	vsub.f32 v2, v12;
	v11 =	vmin.f32 v14, v0;
	v12 =	vmax.f32 v3, v1  }
.Ltmp4:
0x51: {  	v2 =	vld [tilespmem:s3+$0xFFFFFFF0];
	[tilespmem:s1+$0xFFFFFFE0] =	vst v10;
	v10 =	vsub.f32 v5, v11;
	v11 =	vmin.f32 v12, v0;
	v12 =	vmax.f32 v7, v1;
	(pc) =	sbr.rel @p0 .LBB2_10-.Ltmp4, $4  }
0x52: {  	v5 =	vld [tilespmem:s3+$0x0];
	v14 =	vmax.f32 v8, v1;
	[tilespmem:s1+$0xFFFFFFF0] =	vst v9;
	v9 =	vsub.f32 v3, v11;
	v11 =	vmin.f32 v12, v0  }
0x53: {  	v3 =	vld [tilespmem:s3+$0x10];
	v12 =	vmax.f32 v13, v1;
	v14 =	vmin.f32 v14, v0;
	[tilespmem:s1+$0x0] =	vst v10;
	v15 =	vsub.f32 v7, v11  }
0x54: {  	v11 =	vmax.f32 v6, v1;
	v7 =	vld [tilespmem:s3+$0x20];
	v16 =	vmin.f32 v12, v0;
	v10 =	vsub.f32 v8, v14;
	[tilespmem:s1+$0x10] =	vst v9  }
0x55: {  	v8 =	vld [tilespmem:s3+$0xFFFFFFC0];
	v11 =	vmin.f32 v11, v0;
	v12 =	vmax.f32 v4, v1;
	v9 =	vsub.f32 v13, v16;
	s3 =	sadd.s32 $0x200, s3;
	[tilespmem:s1+$0x20] =	vst v15  }
0x56: {  	v6 =	vsub.f32 v6, v11;
	v52 =	vmin.f32 v12, v0;
	v53 =	vmax.f32 v2, v1;
	[tilespmem:s1+$0xFFFFFFC0] =	vst v10;
	s3 =	sadd.s32 $0x200, s1  }
0x57: {  	v4 =	vsub.f32 v4, v52;
	v54 =	vmin.f32 v53, v0;
	v55 =	vmax.f32 v5, v1;
	[tilespmem:s3+$0x30] =	vst v9  }
0x58: {  	[tilespmem:s3+$0xFFFFFFD0] =	vst v6;
	v2 =	vsub.f32 v2, v54;
	v56 =	vmin.f32 v55, v0;
	v57 =	vmax.f32 v3, v1  }
0x59: {  	[tilespmem:s3+$0xFFFFFFE0] =	vst v4;
	v58 =	vsub.f32 v5, v56;
	v59 =	vmin.f32 v57, v0;
	v60 =	vmax.f32 v7, v1  }
0x5a: {  	v61 =	vmax.f32 v8, v1;
	[tilespmem:s3+$0xFFFFFFF0] =	vst v2;
	v2 =	vsub.f32 v3, v59;
	v3 =	vmin.f32 v60, v0  }
0x5b: {  	v62 =	vmin.f32 v61, v0;
	[tilespmem:s3+$0x0] =	vst v58;
	v3 =	vsub.f32 v7, v3  }
0x5c: {  	v63 =	vsub.f32 v8, v62;
	[tilespmem:s3+$0x10] =	vst v2  }
0x5d: {  	s1 =	simm.s32 $0x8000;
	[tilespmem:s3+$0x20] =	vst v3  }
0x5e: {  	s20 =	sadd.s32 $0x0, s8;
	s21 =	simm.s32 $0x8200;
	[tilespmem:s3+$0xFFFFFFC0] =	vst v63;
	s3 =	simm.s32 $0x10  }
.LBB2_12:
0x5f: {  	[hbm4b:s20+s2] =	stream.linear.scatter [tilespmem:s1], [sflag:$0x5], $0x80, $0x38;
	[tilespmem:$0x10080] =	vst v63  }
0x60: {  	s20 =	smov.u32 s3;
	s1 =	smov.u32 s21;
	p0 =	sne.s32 s3, $0x3F0  }
.Ltmp5:
0x61: {  	s3 =	sadd.s32 $0x10, s3;
	(pc) =	sbr.rel @p0 .LBB2_12-.Ltmp5, $2  }
0x62: {  	_ =	sdelay $0x2  }
0x63: {  	s21 =	sadd.s32 $0x200, s21;
	s20 =	sadd.s32 s20, s8  }
0x64: {  	[hbm4b:s20+s2] =	stream.linear.scatter [tilespmem:s1], [sflag:$0x5], $0x80, $0x38;
	[tilespmem:$0x10080] =	vst v63  }
0x65: {  	s1 =	simm.s32 $0x0  }
0x66: {  	s3 =	simm.s32 $0x10;
	s20 =	sadd.s32 $0x0, s9;
	s21 =	simm.s32 $0x200  }
.LBB2_14:
0x67: {  	[tilespmem:s1], [sflag:$0x1] =	stream.linear.gather [hbm4b:s20+s2], $0x80, $0x38;
	[tilespmem:$0x10080] =	vst v63  }
0x68: {  	s20 =	smov.u32 s3;
	s1 =	smov.u32 s21;
	p0 =	sne.s32 s3, $0x3F0  }
.Ltmp6:
0x69: {  	s3 =	sadd.s32 $0x10, s3;
	(pc) =	sbr.rel @p0 .LBB2_14-.Ltmp6, $2  }
0x6a: {  	_ =	sdelay $0x2  }
0x6b: {  	s21 =	sadd.s32 $0x200, s21;
	s20 =	sadd.s32 s20, s9  }
0x6c: {  	[tilespmem:s1], [sflag:$0x1] =	stream.linear.gather [hbm4b:s20+s2], $0x80, $0x38;
	[tilespmem:$0x10080] =	vst v63  }
0x6d: {  	_ =	swait.ge [sflag:s24], $0x2000  }
0x6e: {  	[sflag:s24] =	ssyncset.done $0x0  }
0x6f: {  	s21 =	simm.s32 $0xF0;
	[sflag:s24] =	ssyncadd.s32 $0xFFFFE000  }
0x70: {  	v2 =	vld [tilespmem:s21+$0x0]  }
0x71: {  	v3 =	vld [tilespmem:s21+$0xFFFFFFA0]  }
0x72: {  	v4 =	vld [tilespmem:s21+$0xFFFFFFB0]  }
0x73: {  	v5 =	vld [tilespmem:s21+$0xFFFFFFC0]  }
0x74: {  	v7 =	vld [tilespmem:s21+$0xFFFFFFD0]  }
0x75: {  	v8 =	vld [tilespmem:s21+$0xFFFFFFE0];
	v6 =	vmax.f32 v2, v1  }
0x76: {  	v10 =	vld [tilespmem:s21+$0xFFFFFFF0];
	v9 =	vmax.f32 v3, v1;
	v6 =	vmin.f32 v6, v0  }
0x77: {  	s3 =	simm.s32 $0x2F0;
	v11 =	vld [tilespmem:s21+$0xFFFFFF90];
	v12 =	vmax.f32 v4, v1;
	v9 =	vmin.f32 v9, v0;
	v2 =	vsub.f32 v2, v6  }
0x78: {  	s1 =	simm.s32 $0x80F0;
	v13 =	vld [tilespmem:s3+$0x0];
	v3 =	vsub.f32 v3, v9;
	v9 =	vmin.f32 v12, v0;
	v12 =	vmax.f32 v5, v1  }
0x79: {  	v14 =	vmax.f32 v7, v1;
	v6 =	vld [tilespmem:s3+$0xFFFFFFA0];
	v9 =	vsub.f32 v4, v9;
	v12 =	vmin.f32 v12, v0;
	[tilespmem:s1+$0x0] =	vst v2  }
0x7a: {  	v4 =	vld [tilespmem:s3+$0xFFFFFFB0];
	[tilespmem:s1+$0xFFFFFFA0] =	vst v3;
	v3 =	vsub.f32 v5, v12;
	v5 =	vmin.f32 v14, v0;
	v12 =	vmax.f32 v8, v1  }
0x7b: {  	v2 =	vld [tilespmem:s3+$0xFFFFFFC0];
	[tilespmem:s1+$0xFFFFFFB0] =	vst v9;
	v7 =	vsub.f32 v7, v5;
	v9 =	vmin.f32 v12, v0;
	v12 =	vmax.f32 v10, v1  }
0x7c: {  	v14 =	vmax.f32 v11, v1;
	v5 =	vld [tilespmem:s3+$0xFFFFFFD0];
	[tilespmem:s1+$0xFFFFFFC0] =	vst v3;
	v8 =	vsub.f32 v8, v9;
	v9 =	vmin.f32 v12, v0  }
0x7d: {  	v14 =	vmin.f32 v14, v0;
	v3 =	vld [tilespmem:s3+$0xFFFFFFE0];
	v12 =	vmax.f32 v13, v1;
	[tilespmem:s1+$0xFFFFFFD0] =	vst v7;
	v15 =	vsub.f32 v10, v9  }
0x7e: {  	v9 =	vmax.f32 v6, v1;
	v7 =	vld [tilespmem:s3+$0xFFFFFFF0];
	v16 =	vmin.f32 v12, v0;
	v10 =	vsub.f32 v11, v14;
	[tilespmem:s1+$0xFFFFFFE0] =	vst v8  }
0x7f: {  	s21 =	simm.s32 $0x8;
	v8 =	vld [tilespmem:s3+$0xFFFFFF90];
	v11 =	vmin.f32 v9, v0;
	v12 =	vmax.f32 v4, v1;
	v9 =	vsub.f32 v13, v16;
	s3 =	simm.s32 $0x4F0;
	[tilespmem:s1+$0xFFFFFFF0] =	vst v15  }
.LBB2_16:
0x80: {  	v13 =	vld [tilespmem:s3+$0x0];
	s21 =	sadd.s32 $0x8, s21;
	v11 =	vsub.f32 v6, v11;
	v12 =	vmin.f32 v12, v0;
	v14 =	vmax.f32 v2, v1;
	[tilespmem:s1+$0xFFFFFF90] =	vst v10;
	s1 =	sadd.s32 $0x200, s1  }
0x81: {  	v6 =	vld [tilespmem:s3+$0xFFFFFFA0];
	p0 =	slt.u32 s21, $0x1F8;
	v10 =	vsub.f32 v4, v12;
	v12 =	vmin.f32 v14, v0;
	v14 =	vmax.f32 v5, v1;
	[tilespmem:s1+$0x0] =	vst v9  }
0x82: {  	v4 =	vld [tilespmem:s3+$0xFFFFFFB0];
	[tilespmem:s1+$0xFFFFFFA0] =	vst v11;
	v9 =	vsub.f32 v2, v12;
	v11 =	vmin.f32 v14, v0;
	v12 =	vmax.f32 v3, v1  }
.Ltmp7:
0x83: {  	v2 =	vld [tilespmem:s3+$0xFFFFFFC0];
	[tilespmem:s1+$0xFFFFFFB0] =	vst v10;
	v10 =	vsub.f32 v5, v11;
	v11 =	vmin.f32 v12, v0;
	v12 =	vmax.f32 v7, v1;
	(pc) =	sbr.rel @p0 .LBB2_16-.Ltmp7, $4  }
0x84: {  	v5 =	vld [tilespmem:s3+$0xFFFFFFD0];
	v14 =	vmax.f32 v8, v1;
	[tilespmem:s1+$0xFFFFFFC0] =	vst v9;
	v9 =	vsub.f32 v3, v11;
	v11 =	vmin.f32 v12, v0  }
0x85: {  	v3 =	vld [tilespmem:s3+$0xFFFFFFE0];
	v12 =	vmax.f32 v13, v1;
	v14 =	vmin.f32 v14, v0;
	[tilespmem:s1+$0xFFFFFFD0] =	vst v10;
	v15 =	vsub.f32 v7, v11  }
0x86: {  	v11 =	vmax.f32 v6, v1;
	v7 =	vld [tilespmem:s3+$0xFFFFFFF0];
	v16 =	vmin.f32 v12, v0;
	v10 =	vsub.f32 v8, v14;
	[tilespmem:s1+$0xFFFFFFE0] =	vst v9  }
0x87: {  	v8 =	vld [tilespmem:s3+$0xFFFFFF90];
	v11 =	vmin.f32 v11, v0;
	v12 =	vmax.f32 v4, v1;
	v9 =	vsub.f32 v13, v16;
	s3 =	sadd.s32 $0x200, s3;
	[tilespmem:s1+$0xFFFFFFF0] =	vst v15  }
0x88: {  	v6 =	vsub.f32 v6, v11;
	v52 =	vmin.f32 v12, v0;
	v53 =	vmax.f32 v2, v1;
	[tilespmem:s1+$0xFFFFFF90] =	vst v10;
	s3 =	sadd.s32 $0x200, s1  }
0x89: {  	v4 =	vsub.f32 v4, v52;
	v54 =	vmin.f32 v53, v0;
	v55 =	vmax.f32 v5, v1;
	[tilespmem:s3+$0x0] =	vst v9  }
0x8a: {  	[tilespmem:s3+$0xFFFFFFA0] =	vst v6;
	v2 =	vsub.f32 v2, v54;
	v56 =	vmin.f32 v55, v0;
	v57 =	vmax.f32 v3, v1  }
0x8b: {  	[tilespmem:s3+$0xFFFFFFB0] =	vst v4;
	v58 =	vsub.f32 v5, v56;
	v59 =	vmin.f32 v57, v0;
	v60 =	vmax.f32 v7, v1  }
0x8c: {  	v61 =	vmax.f32 v8, v1;
	[tilespmem:s3+$0xFFFFFFC0] =	vst v2;
	v2 =	vsub.f32 v3, v59;
	v3 =	vmin.f32 v60, v0  }
0x8d: {  	v62 =	vmin.f32 v61, v0;
	[tilespmem:s3+$0xFFFFFFD0] =	vst v58;
	v3 =	vsub.f32 v7, v3  }
0x8e: {  	v63 =	vsub.f32 v8, v62;
	[tilespmem:s3+$0xFFFFFFE0] =	vst v2  }
0x8f: {  	s1 =	simm.s32 $0x8080;
	[tilespmem:s3+$0xFFFFFFF0] =	vst v3  }
0x90: {  	s20 =	sadd.s32 $0x0, s10;
	s21 =	simm.s32 $0x8280;
	[tilespmem:s3+$0xFFFFFF90] =	vst v63;
	s3 =	simm.s32 $0x10  }
.LBB2_18:
0x91: {  	[hbm4b:s20+s2] =	stream.linear.scatter [tilespmem:s1], [sflag:$0x6], $0x80, $0x38;
	[tilespmem:$0x10080] =	vst v63  }
0x92: {  	s20 =	smov.u32 s3;
	s1 =	smov.u32 s21;
	p0 =	sne.s32 s3, $0x3F0  }
.Ltmp8:
0x93: {  	s3 =	sadd.s32 $0x10, s3;
	(pc) =	sbr.rel @p0 .LBB2_18-.Ltmp8, $2  }
0x94: {  	_ =	sdelay $0x2  }
0x95: {  	s21 =	sadd.s32 $0x200, s21;
	s20 =	sadd.s32 s20, s10  }
0x96: {  	[hbm4b:s20+s2] =	stream.linear.scatter [tilespmem:s1], [sflag:$0x6], $0x80, $0x38;
	[tilespmem:$0x10080] =	vst v63  }
0x97: {  	s1 =	simm.s32 $0x80  }
0x98: {  	s3 =	simm.s32 $0x10;
	s20 =	sadd.s32 $0x0, s11;
	s21 =	simm.s32 $0x280  }
.LBB2_20:
0x99: {  	[tilespmem:s1], [sflag:$0x2] =	stream.linear.gather [hbm4b:s20+s2], $0x80, $0x38;
	[tilespmem:$0x10080] =	vst v63  }
0x9a: {  	s20 =	smov.u32 s3;
	s1 =	smov.u32 s21;
	p0 =	sne.s32 s3, $0x3F0  }
.Ltmp9:
0x9b: {  	s3 =	sadd.s32 $0x10, s3;
	(pc) =	sbr.rel @p0 .LBB2_20-.Ltmp9, $2  }
0x9c: {  	_ =	sdelay $0x2  }
0x9d: {  	s21 =	sadd.s32 $0x200, s21;
	s20 =	sadd.s32 s20, s11  }
0x9e: {  	[tilespmem:s1], [sflag:$0x2] =	stream.linear.gather [hbm4b:s20+s2], $0x80, $0x38;
	[tilespmem:$0x10080] =	vst v63  }
0x9f: {  	_ =	swait.ge [sflag:s25], $0x2000  }
0xa0: {  	[sflag:s25] =	ssyncset.done $0x0  }
0xa1: {  	s21 =	simm.s32 $0x170;
	[sflag:s25] =	ssyncadd.s32 $0xFFFFE000  }
0xa2: {  	v2 =	vld [tilespmem:s21+$0x0]  }
0xa3: {  	v3 =	vld [tilespmem:s21+$0xFFFFFFA0]  }
0xa4: {  	v4 =	vld [tilespmem:s21+$0xFFFFFFB0]  }
0xa5: {  	v5 =	vld [tilespmem:s21+$0xFFFFFFC0]  }
0xa6: {  	v7 =	vld [tilespmem:s21+$0xFFFFFFD0]  }
0xa7: {  	v8 =	vld [tilespmem:s21+$0xFFFFFFE0];
	v6 =	vmax.f32 v2, v1  }
0xa8: {  	v10 =	vld [tilespmem:s21+$0xFFFFFFF0];
	v9 =	vmax.f32 v3, v1;
	v6 =	vmin.f32 v6, v0  }
0xa9: {  	s3 =	simm.s32 $0x370;
	v11 =	vld [tilespmem:s21+$0xFFFFFF90];
	v12 =	vmax.f32 v4, v1;
	v9 =	vmin.f32 v9, v0;
	v2 =	vsub.f32 v2, v6  }
0xaa: {  	s1 =	simm.s32 $0x8170;
	v13 =	vld [tilespmem:s3+$0x0];
	v3 =	vsub.f32 v3, v9;
	v9 =	vmin.f32 v12, v0;
	v12 =	vmax.f32 v5, v1  }
0xab: {  	v14 =	vmax.f32 v7, v1;
	v6 =	vld [tilespmem:s3+$0xFFFFFFA0];
	v9 =	vsub.f32 v4, v9;
	v12 =	vmin.f32 v12, v0;
	[tilespmem:s1+$0x0] =	vst v2  }
0xac: {  	v4 =	vld [tilespmem:s3+$0xFFFFFFB0];
	[tilespmem:s1+$0xFFFFFFA0] =	vst v3;
	v3 =	vsub.f32 v5, v12;
	v5 =	vmin.f32 v14, v0;
	v12 =	vmax.f32 v8, v1  }
0xad: {  	v2 =	vld [tilespmem:s3+$0xFFFFFFC0];
	[tilespmem:s1+$0xFFFFFFB0] =	vst v9;
	v7 =	vsub.f32 v7, v5;
	v9 =	vmin.f32 v12, v0;
	v12 =	vmax.f32 v10, v1  }
0xae: {  	v14 =	vmax.f32 v11, v1;
	v5 =	vld [tilespmem:s3+$0xFFFFFFD0];
	[tilespmem:s1+$0xFFFFFFC0] =	vst v3;
	v8 =	vsub.f32 v8, v9;
	v9 =	vmin.f32 v12, v0  }
0xaf: {  	v14 =	vmin.f32 v14, v0;
	v3 =	vld [tilespmem:s3+$0xFFFFFFE0];
	v12 =	vmax.f32 v13, v1;
	[tilespmem:s1+$0xFFFFFFD0] =	vst v7;
	v15 =	vsub.f32 v10, v9  }
0xb0: {  	v9 =	vmax.f32 v6, v1;
	v7 =	vld [tilespmem:s3+$0xFFFFFFF0];
	v16 =	vmin.f32 v12, v0;
	v10 =	vsub.f32 v11, v14;
	[tilespmem:s1+$0xFFFFFFE0] =	vst v8  }
0xb1: {  	s21 =	simm.s32 $0x8;
	v8 =	vld [tilespmem:s3+$0xFFFFFF90];
	v11 =	vmin.f32 v9, v0;
	v12 =	vmax.f32 v4, v1;
	v9 =	vsub.f32 v13, v16;
	s3 =	simm.s32 $0x570;
	[tilespmem:s1+$0xFFFFFFF0] =	vst v15  }
.LBB2_22:
0xb2: {  	v13 =	vld [tilespmem:s3+$0x0];
	s21 =	sadd.s32 $0x8, s21;
	v11 =	vsub.f32 v6, v11;
	v12 =	vmin.f32 v12, v0;
	v14 =	vmax.f32 v2, v1;
	[tilespmem:s1+$0xFFFFFF90] =	vst v10;
	s1 =	sadd.s32 $0x200, s1  }
0xb3: {  	v6 =	vld [tilespmem:s3+$0xFFFFFFA0];
	p0 =	slt.u32 s21, $0x1F8;
	v10 =	vsub.f32 v4, v12;
	v12 =	vmin.f32 v14, v0;
	v14 =	vmax.f32 v5, v1;
	[tilespmem:s1+$0x0] =	vst v9  }
0xb4: {  	v4 =	vld [tilespmem:s3+$0xFFFFFFB0];
	[tilespmem:s1+$0xFFFFFFA0] =	vst v11;
	v9 =	vsub.f32 v2, v12;
	v11 =	vmin.f32 v14, v0;
	v12 =	vmax.f32 v3, v1  }
.Ltmp10:
0xb5: {  	v2 =	vld [tilespmem:s3+$0xFFFFFFC0];
	[tilespmem:s1+$0xFFFFFFB0] =	vst v10;
	v10 =	vsub.f32 v5, v11;
	v11 =	vmin.f32 v12, v0;
	v12 =	vmax.f32 v7, v1;
	(pc) =	sbr.rel @p0 .LBB2_22-.Ltmp10, $4  }
0xb6: {  	v5 =	vld [tilespmem:s3+$0xFFFFFFD0];
	v14 =	vmax.f32 v8, v1;
	[tilespmem:s1+$0xFFFFFFC0] =	vst v9;
	v9 =	vsub.f32 v3, v11;
	v11 =	vmin.f32 v12, v0  }
0xb7: {  	v3 =	vld [tilespmem:s3+$0xFFFFFFE0];
	v12 =	vmax.f32 v13, v1;
	v14 =	vmin.f32 v14, v0;
	[tilespmem:s1+$0xFFFFFFD0] =	vst v10;
	v15 =	vsub.f32 v7, v11  }
0xb8: {  	v11 =	vmax.f32 v6, v1;
	v7 =	vld [tilespmem:s3+$0xFFFFFFF0];
	v16 =	vmin.f32 v12, v0;
	v10 =	vsub.f32 v8, v14;
	[tilespmem:s1+$0xFFFFFFE0] =	vst v9  }
0xb9: {  	v8 =	vld [tilespmem:s3+$0xFFFFFF90];
	v11 =	vmin.f32 v11, v0;
	v12 =	vmax.f32 v4, v1;
	v9 =	vsub.f32 v13, v16;
	s3 =	sadd.s32 $0x200, s3;
	[tilespmem:s1+$0xFFFFFFF0] =	vst v15  }
0xba: {  	v6 =	vsub.f32 v6, v11;
	v52 =	vmin.f32 v12, v0;
	v53 =	vmax.f32 v2, v1;
	[tilespmem:s1+$0xFFFFFF90] =	vst v10;
	s3 =	sadd.s32 $0x200, s1  }
0xbb: {  	v4 =	vsub.f32 v4, v52;
	v54 =	vmin.f32 v53, v0;
	v55 =	vmax.f32 v5, v1;
	[tilespmem:s3+$0x0] =	vst v9  }
0xbc: {  	[tilespmem:s3+$0xFFFFFFA0] =	vst v6;
	v2 =	vsub.f32 v2, v54;
	v56 =	vmin.f32 v55, v0;
	v57 =	vmax.f32 v3, v1  }
0xbd: {  	[tilespmem:s3+$0xFFFFFFB0] =	vst v4;
	v58 =	vsub.f32 v5, v56;
	v59 =	vmin.f32 v57, v0;
	v60 =	vmax.f32 v7, v1  }
0xbe: {  	v61 =	vmax.f32 v8, v1;
	[tilespmem:s3+$0xFFFFFFC0] =	vst v2;
	v2 =	vsub.f32 v3, v59;
	v3 =	vmin.f32 v60, v0  }
0xbf: {  	v62 =	vmin.f32 v61, v0;
	[tilespmem:s3+$0xFFFFFFD0] =	vst v58;
	v3 =	vsub.f32 v7, v3  }
0xc0: {  	v63 =	vsub.f32 v8, v62;
	[tilespmem:s3+$0xFFFFFFE0] =	vst v2  }
0xc1: {  	s1 =	simm.s32 $0x8100;
	[tilespmem:s3+$0xFFFFFFF0] =	vst v3  }
0xc2: {  	s20 =	sadd.s32 $0x0, s12;
	s21 =	simm.s32 $0x8300;
	[tilespmem:s3+$0xFFFFFF90] =	vst v63;
	s3 =	simm.s32 $0x10  }
.LBB2_24:
0xc3: {  	[hbm4b:s20+s2] =	stream.linear.scatter [tilespmem:s1], [sflag:$0x7], $0x80, $0x38;
	[tilespmem:$0x10080] =	vst v63  }
0xc4: {  	s20 =	smov.u32 s3;
	s1 =	smov.u32 s21;
	p0 =	sne.s32 s3, $0x3F0  }
.Ltmp11:
0xc5: {  	s3 =	sadd.s32 $0x10, s3;
	(pc) =	sbr.rel @p0 .LBB2_24-.Ltmp11, $2  }
0xc6: {  	_ =	sdelay $0x2  }
0xc7: {  	s21 =	sadd.s32 $0x200, s21;
	s20 =	sadd.s32 s20, s12  }
0xc8: {  	[hbm4b:s20+s2] =	stream.linear.scatter [tilespmem:s1], [sflag:$0x7], $0x80, $0x38;
	[tilespmem:$0x10080] =	vst v63  }
0xc9: {  	s1 =	simm.s32 $0x100  }
0xca: {  	s3 =	simm.s32 $0x10;
	s20 =	sadd.s32 $0x0, s13;
	s21 =	simm.s32 $0x300  }
.LBB2_26:
0xcb: {  	[tilespmem:s1], [sflag:$0x3] =	stream.linear.gather [hbm4b:s20+s2], $0x80, $0x38;
	[tilespmem:$0x10080] =	vst v63  }
0xcc: {  	s20 =	smov.u32 s3;
	s1 =	smov.u32 s21;
	p0 =	sne.s32 s3, $0x3F0  }
.Ltmp12:
0xcd: {  	s3 =	sadd.s32 $0x10, s3;
	(pc) =	sbr.rel @p0 .LBB2_26-.Ltmp12, $2  }
0xce: {  	_ =	sdelay $0x2  }
0xcf: {  	s21 =	sadd.s32 $0x200, s21;
	s20 =	sadd.s32 s20, s13  }
0xd0: {  	[tilespmem:s1], [sflag:$0x3] =	stream.linear.gather [hbm4b:s20+s2], $0x80, $0x38;
	[tilespmem:$0x10080] =	vst v63  }
0xd1: {  	_ =	swait.ge [sflag:s26], $0x2000  }
0xd2: {  	[sflag:s26] =	ssyncset.done $0x0  }
0xd3: {  	s21 =	simm.s32 $0x1F0;
	[sflag:s26] =	ssyncadd.s32 $0xFFFFE000  }
0xd4: {  	v2 =	vld [tilespmem:s21+$0x0]  }
0xd5: {  	v3 =	vld [tilespmem:s21+$0xFFFFFFA0]  }
0xd6: {  	v4 =	vld [tilespmem:s21+$0xFFFFFFB0]  }
0xd7: {  	v5 =	vld [tilespmem:s21+$0xFFFFFFC0]  }
0xd8: {  	v7 =	vld [tilespmem:s21+$0xFFFFFFD0]  }
0xd9: {  	v8 =	vld [tilespmem:s21+$0xFFFFFFE0];
	v6 =	vmax.f32 v2, v1  }
0xda: {  	v10 =	vld [tilespmem:s21+$0xFFFFFFF0];
	v9 =	vmax.f32 v3, v1;
	v6 =	vmin.f32 v6, v0  }
0xdb: {  	s3 =	simm.s32 $0x3F0;
	v11 =	vld [tilespmem:s21+$0xFFFFFF90];
	v12 =	vmax.f32 v4, v1;
	v9 =	vmin.f32 v9, v0;
	v2 =	vsub.f32 v2, v6  }
0xdc: {  	s1 =	simm.s32 $0x81F0;
	v13 =	vld [tilespmem:s3+$0x0];
	v3 =	vsub.f32 v3, v9;
	v9 =	vmin.f32 v12, v0;
	v12 =	vmax.f32 v5, v1  }
0xdd: {  	v14 =	vmax.f32 v7, v1;
	v6 =	vld [tilespmem:s3+$0xFFFFFFA0];
	v9 =	vsub.f32 v4, v9;
	v12 =	vmin.f32 v12, v0;
	[tilespmem:s1+$0x0] =	vst v2  }
0xde: {  	v4 =	vld [tilespmem:s3+$0xFFFFFFB0];
	[tilespmem:s1+$0xFFFFFFA0] =	vst v3;
	v3 =	vsub.f32 v5, v12;
	v5 =	vmin.f32 v14, v0;
	v12 =	vmax.f32 v8, v1  }
0xdf: {  	v2 =	vld [tilespmem:s3+$0xFFFFFFC0];
	[tilespmem:s1+$0xFFFFFFB0] =	vst v9;
	v7 =	vsub.f32 v7, v5;
	v9 =	vmin.f32 v12, v0;
	v12 =	vmax.f32 v10, v1  }
0xe0: {  	v14 =	vmax.f32 v11, v1;
	v5 =	vld [tilespmem:s3+$0xFFFFFFD0];
	[tilespmem:s1+$0xFFFFFFC0] =	vst v3;
	v8 =	vsub.f32 v8, v9;
	v9 =	vmin.f32 v12, v0  }
0xe1: {  	v14 =	vmin.f32 v14, v0;
	v3 =	vld [tilespmem:s3+$0xFFFFFFE0];
	v12 =	vmax.f32 v13, v1;
	[tilespmem:s1+$0xFFFFFFD0] =	vst v7;
	v15 =	vsub.f32 v10, v9  }
0xe2: {  	v9 =	vmax.f32 v6, v1;
	v7 =	vld [tilespmem:s3+$0xFFFFFFF0];
	v16 =	vmin.f32 v12, v0;
	v10 =	vsub.f32 v11, v14;
	[tilespmem:s1+$0xFFFFFFE0] =	vst v8  }
0xe3: {  	s21 =	simm.s32 $0x8;
	v8 =	vld [tilespmem:s3+$0xFFFFFF90];
	v11 =	vmin.f32 v9, v0;
	v12 =	vmax.f32 v4, v1;
	v9 =	vsub.f32 v13, v16;
	s3 =	simm.s32 $0x5F0;
	[tilespmem:s1+$0xFFFFFFF0] =	vst v15  }
.LBB2_28:
0xe4: {  	v13 =	vld [tilespmem:s3+$0x0];
	s21 =	sadd.s32 $0x8, s21;
	v11 =	vsub.f32 v6, v11;
	v12 =	vmin.f32 v12, v0;
	v14 =	vmax.f32 v2, v1;
	[tilespmem:s1+$0xFFFFFF90] =	vst v10;
	s1 =	sadd.s32 $0x200, s1  }
0xe5: {  	v6 =	vld [tilespmem:s3+$0xFFFFFFA0];
	p0 =	slt.u32 s21, $0x1F8;
	v10 =	vsub.f32 v4, v12;
	v12 =	vmin.f32 v14, v0;
	v14 =	vmax.f32 v5, v1;
	[tilespmem:s1+$0x0] =	vst v9  }
0xe6: {  	v4 =	vld [tilespmem:s3+$0xFFFFFFB0];
	[tilespmem:s1+$0xFFFFFFA0] =	vst v11;
	v9 =	vsub.f32 v2, v12;
	v11 =	vmin.f32 v14, v0;
	v12 =	vmax.f32 v3, v1  }
.Ltmp13:
0xe7: {  	v2 =	vld [tilespmem:s3+$0xFFFFFFC0];
	[tilespmem:s1+$0xFFFFFFB0] =	vst v10;
	v10 =	vsub.f32 v5, v11;
	v11 =	vmin.f32 v12, v0;
	v12 =	vmax.f32 v7, v1;
	(pc) =	sbr.rel @p0 .LBB2_28-.Ltmp13, $4  }
0xe8: {  	v5 =	vld [tilespmem:s3+$0xFFFFFFD0];
	v14 =	vmax.f32 v8, v1;
	[tilespmem:s1+$0xFFFFFFC0] =	vst v9;
	v9 =	vsub.f32 v3, v11;
	v11 =	vmin.f32 v12, v0  }
0xe9: {  	v3 =	vld [tilespmem:s3+$0xFFFFFFE0];
	v12 =	vmax.f32 v13, v1;
	v14 =	vmin.f32 v14, v0;
	[tilespmem:s1+$0xFFFFFFD0] =	vst v10;
	v15 =	vsub.f32 v7, v11  }
0xea: {  	v11 =	vmax.f32 v6, v1;
	v7 =	vld [tilespmem:s3+$0xFFFFFFF0];
	v16 =	vmin.f32 v12, v0;
	v10 =	vsub.f32 v8, v14;
	[tilespmem:s1+$0xFFFFFFE0] =	vst v9  }
0xeb: {  	v8 =	vld [tilespmem:s3+$0xFFFFFF90];
	v11 =	vmin.f32 v11, v0;
	v12 =	vmax.f32 v4, v1;
	v9 =	vsub.f32 v13, v16;
	s3 =	sadd.s32 $0x200, s3;
	[tilespmem:s1+$0xFFFFFFF0] =	vst v15  }
0xec: {  	v6 =	vsub.f32 v6, v11;
	v52 =	vmin.f32 v12, v0;
	v53 =	vmax.f32 v2, v1;
	[tilespmem:s1+$0xFFFFFF90] =	vst v10;
	s3 =	sadd.s32 $0x200, s1  }
0xed: {  	v4 =	vsub.f32 v4, v52;
	v54 =	vmin.f32 v53, v0;
	v55 =	vmax.f32 v5, v1;
	[tilespmem:s3+$0x0] =	vst v9  }
0xee: {  	[tilespmem:s3+$0xFFFFFFA0] =	vst v6;
	v2 =	vsub.f32 v2, v54;
	v56 =	vmin.f32 v55, v0;
	v57 =	vmax.f32 v3, v1  }
0xef: {  	[tilespmem:s3+$0xFFFFFFB0] =	vst v4;
	v58 =	vsub.f32 v5, v56;
	v59 =	vmin.f32 v57, v0;
	v60 =	vmax.f32 v7, v1  }
0xf0: {  	v61 =	vmax.f32 v8, v1;
	[tilespmem:s3+$0xFFFFFFC0] =	vst v2;
	v2 =	vsub.f32 v3, v59;
	v3 =	vmin.f32 v60, v0  }
0xf1: {  	v62 =	vmin.f32 v61, v0;
	[tilespmem:s3+$0xFFFFFFD0] =	vst v58;
	v3 =	vsub.f32 v7, v3  }
0xf2: {  	v63 =	vsub.f32 v8, v62;
	[tilespmem:s3+$0xFFFFFFE0] =	vst v2  }
0xf3: {  	s1 =	simm.s32 $0x8180;
	[tilespmem:s3+$0xFFFFFFF0] =	vst v3  }
0xf4: {  	s20 =	sadd.s32 $0x0, s14;
	s21 =	simm.s32 $0x8380;
	[tilespmem:s3+$0xFFFFFF90] =	vst v63;
	s3 =	simm.s32 $0x10  }
.LBB2_30:
0xf5: {  	[hbm4b:s20+s2] =	stream.linear.scatter [tilespmem:s1], [sflag:$0x8], $0x80, $0x38;
	[tilespmem:$0x10080] =	vst v63  }
0xf6: {  	s20 =	smov.u32 s3;
	s1 =	smov.u32 s21;
	p0 =	sne.s32 s3, $0x3F0  }
.Ltmp14:
0xf7: {  	s3 =	sadd.s32 $0x10, s3;
	(pc) =	sbr.rel @p0 .LBB2_30-.Ltmp14, $2  }
0xf8: {  	_ =	sdelay $0x2  }
0xf9: {  	s21 =	sadd.s32 $0x200, s21;
	s20 =	sadd.s32 s20, s14  }
0xfa: {  	[hbm4b:s20+s2] =	stream.linear.scatter [tilespmem:s1], [sflag:$0x8], $0x80, $0x38;
	[tilespmem:$0x10080] =	vst v63  }
0xfb: {  	s1 =	simm.s32 $0x180  }
0xfc: {  	s3 =	simm.s32 $0x10;
	s20 =	sadd.s32 $0x0, s15;
	s21 =	simm.s32 $0x380  }
.LBB2_32:
0xfd: {  	[tilespmem:s1], [sflag:$0x4] =	stream.linear.gather [hbm4b:s20+s2], $0x80, $0x38;
	[tilespmem:$0x10080] =	vst v63  }
0xfe: {  	s20 =	smov.u32 s3;
	s1 =	smov.u32 s21;
	p0 =	sne.s32 s3, $0x3F0  }
.Ltmp15:
0xff: {  	s3 =	sadd.s32 $0x10, s3;
	(pc) =	sbr.rel @p0 .LBB2_32-.Ltmp15, $2  }
0x100: {  	_ =	sdelay $0x2  }
0x101: {  	s21 =	sadd.s32 $0x200, s21;
	s20 =	sadd.s32 s20, s15  }
0x102: {  	[tilespmem:s1], [sflag:$0x4] =	stream.linear.gather [hbm4b:s20+s2], $0x80, $0x38;
	[tilespmem:$0x10080] =	vst v63  }
0x103: {  	_ =	swait.ge [sflag:s23], $0x2000  }
0x104: {  	[sflag:s23] =	ssyncset.done $0x0  }
0x105: {  	[sflag:s23] =	ssyncadd.s32 $0xFFFFE000  }
0x106: {  	_ =	swait.ge [sflag:s28], $0x2000  }
0x107: {  	[sflag:s28] =	ssyncset.done $0x0  }
0x108: {  	s21 =	simm.s32 $0x40;
	[sflag:s28] =	ssyncadd.s32 $0xFFFFE000  }
0x109: {  	v2 =	vld [tilespmem:s21+$0x30]  }
0x10a: {  	v3 =	vld [tilespmem:s21+$0xFFFFFFD0]  }
0x10b: {  	v4 =	vld [tilespmem:s21+$0xFFFFFFE0]  }
0x10c: {  	v5 =	vld [tilespmem:s21+$0xFFFFFFF0]  }
0x10d: {  	v7 =	vld [tilespmem:s21+$0x0]  }
0x10e: {  	v8 =	vld [tilespmem:s21+$0x10];
	v6 =	vmax.f32 v2, v1  }
0x10f: {  	v10 =	vld [tilespmem:s21+$0x20];
	v9 =	vmax.f32 v3, v1;
	v6 =	vmin.f32 v6, v0  }
0x110: {  	s3 =	simm.s32 $0x240;
	v11 =	vld [tilespmem:s21+$0xFFFFFFC0];
	v12 =	vmax.f32 v4, v1;
	v9 =	vmin.f32 v9, v0;
	v2 =	vsub.f32 v2, v6  }
0x111: {  	s1 =	simm.s32 $0x8040;
	v13 =	vld [tilespmem:s3+$0x30];
	v3 =	vsub.f32 v3, v9;
	v9 =	vmin.f32 v12, v0;
	v12 =	vmax.f32 v5, v1  }
0x112: {  	v14 =	vmax.f32 v7, v1;
	v6 =	vld [tilespmem:s3+$0xFFFFFFD0];
	v9 =	vsub.f32 v4, v9;
	v12 =	vmin.f32 v12, v0;
	[tilespmem:s1+$0x30] =	vst v2  }
0x113: {  	v4 =	vld [tilespmem:s3+$0xFFFFFFE0];
	[tilespmem:s1+$0xFFFFFFD0] =	vst v3;
	v3 =	vsub.f32 v5, v12;
	v5 =	vmin.f32 v14, v0;
	v12 =	vmax.f32 v8, v1  }
0x114: {  	v2 =	vld [tilespmem:s3+$0xFFFFFFF0];
	[tilespmem:s1+$0xFFFFFFE0] =	vst v9;
	v7 =	vsub.f32 v7, v5;
	v9 =	vmin.f32 v12, v0;
	v12 =	vmax.f32 v10, v1  }
0x115: {  	v14 =	vmax.f32 v11, v1;
	v5 =	vld [tilespmem:s3+$0x0];
	[tilespmem:s1+$0xFFFFFFF0] =	vst v3;
	v8 =	vsub.f32 v8, v9;
	v9 =	vmin.f32 v12, v0  }
0x116: {  	v14 =	vmin.f32 v14, v0;
	v3 =	vld [tilespmem:s3+$0x10];
	v12 =	vmax.f32 v13, v1;
	[tilespmem:s1+$0x0] =	vst v7;
	v15 =	vsub.f32 v10, v9  }
0x117: {  	v9 =	vmax.f32 v6, v1;
	v7 =	vld [tilespmem:s3+$0x20];
	v16 =	vmin.f32 v12, v0;
	v10 =	vsub.f32 v11, v14;
	[tilespmem:s1+$0x10] =	vst v8  }
0x118: {  	s21 =	simm.s32 $0x8;
	v8 =	vld [tilespmem:s3+$0xFFFFFFC0];
	v11 =	vmin.f32 v9, v0;
	v12 =	vmax.f32 v4, v1;
	v9 =	vsub.f32 v13, v16;
	s3 =	simm.s32 $0x440;
	[tilespmem:s1+$0x20] =	vst v15  }
.LBB2_34:
0x119: {  	v13 =	vld [tilespmem:s3+$0x30];
	s21 =	sadd.s32 $0x8, s21;
	v11 =	vsub.f32 v6, v11;
	v12 =	vmin.f32 v12, v0;
	v14 =	vmax.f32 v2, v1;
	[tilespmem:s1+$0xFFFFFFC0] =	vst v10;
	s1 =	sadd.s32 $0x200, s1  }
0x11a: {  	v6 =	vld [tilespmem:s3+$0xFFFFFFD0];
	p0 =	slt.u32 s21, $0x1F8;
	v10 =	vsub.f32 v4, v12;
	v12 =	vmin.f32 v14, v0;
	v14 =	vmax.f32 v5, v1;
	[tilespmem:s1+$0x30] =	vst v9  }
0x11b: {  	v4 =	vld [tilespmem:s3+$0xFFFFFFE0];
	[tilespmem:s1+$0xFFFFFFD0] =	vst v11;
	v9 =	vsub.f32 v2, v12;
	v11 =	vmin.f32 v14, v0;
	v12 =	vmax.f32 v3, v1  }
.Ltmp16:
0x11c: {  	v2 =	vld [tilespmem:s3+$0xFFFFFFF0];
	[tilespmem:s1+$0xFFFFFFE0] =	vst v10;
	v10 =	vsub.f32 v5, v11;
	v11 =	vmin.f32 v12, v0;
	v12 =	vmax.f32 v7, v1;
	(pc) =	sbr.rel @p0 .LBB2_34-.Ltmp16, $4  }
0x11d: {  	v5 =	vld [tilespmem:s3+$0x0];
	v14 =	vmax.f32 v8, v1;
	[tilespmem:s1+$0xFFFFFFF0] =	vst v9;
	v9 =	vsub.f32 v3, v11;
	v11 =	vmin.f32 v12, v0  }
0x11e: {  	v3 =	vld [tilespmem:s3+$0x10];
	v12 =	vmax.f32 v13, v1;
	v14 =	vmin.f32 v14, v0;
	[tilespmem:s1+$0x0] =	vst v10;
	v15 =	vsub.f32 v7, v11  }
0x11f: {  	v11 =	vmax.f32 v6, v1;
	v7 =	vld [tilespmem:s3+$0x20];
	v16 =	vmin.f32 v12, v0;
	v10 =	vsub.f32 v8, v14;
	[tilespmem:s1+$0x10] =	vst v9  }
0x120: {  	v8 =	vld [tilespmem:s3+$0xFFFFFFC0];
	v11 =	vmin.f32 v11, v0;
	v12 =	vmax.f32 v4, v1;
	v9 =	vsub.f32 v13, v16;
	s3 =	sadd.s32 $0x200, s3;
	[tilespmem:s1+$0x20] =	vst v15  }
0x121: {  	v6 =	vsub.f32 v6, v11;
	v52 =	vmin.f32 v12, v0;
	v53 =	vmax.f32 v2, v1;
	[tilespmem:s1+$0xFFFFFFC0] =	vst v10;
	s3 =	sadd.s32 $0x200, s1  }
0x122: {  	v4 =	vsub.f32 v4, v52;
	v54 =	vmin.f32 v53, v0;
	v55 =	vmax.f32 v5, v1;
	[tilespmem:s3+$0x30] =	vst v9  }
0x123: {  	[tilespmem:s3+$0xFFFFFFD0] =	vst v6;
	v2 =	vsub.f32 v2, v54;
	v56 =	vmin.f32 v55, v0;
	v57 =	vmax.f32 v3, v1  }
0x124: {  	[tilespmem:s3+$0xFFFFFFE0] =	vst v4;
	v58 =	vsub.f32 v5, v56;
	v59 =	vmin.f32 v57, v0;
	v60 =	vmax.f32 v7, v1  }
0x125: {  	v61 =	vmax.f32 v8, v1;
	[tilespmem:s3+$0xFFFFFFF0] =	vst v2;
	v2 =	vsub.f32 v3, v59;
	v3 =	vmin.f32 v60, v0  }
0x126: {  	v62 =	vmin.f32 v61, v0;
	[tilespmem:s3+$0x0] =	vst v58;
	v3 =	vsub.f32 v7, v3  }
0x127: {  	v63 =	vsub.f32 v8, v62;
	[tilespmem:s3+$0x10] =	vst v2  }
0x128: {  	s1 =	simm.s32 $0x8000;
	[tilespmem:s3+$0x20] =	vst v3  }
0x129: {  	s20 =	sadd.s32 $0x0, s16;
	s21 =	simm.s32 $0x8200;
	[tilespmem:s3+$0xFFFFFFC0] =	vst v63;
	s3 =	simm.s32 $0x10  }
.LBB2_36:
0x12a: {  	[hbm4b:s20+s2] =	stream.linear.scatter [tilespmem:s1], [sflag:$0x5], $0x80, $0x38;
	[tilespmem:$0x10080] =	vst v63  }
0x12b: {  	s20 =	smov.u32 s3;
	s1 =	smov.u32 s21;
	p0 =	sne.s32 s3, $0x3F0  }
.Ltmp17:
0x12c: {  	s3 =	sadd.s32 $0x10, s3;
	(pc) =	sbr.rel @p0 .LBB2_36-.Ltmp17, $2  }
0x12d: {  	_ =	sdelay $0x2  }
0x12e: {  	s21 =	sadd.s32 $0x200, s21;
	s20 =	sadd.s32 s20, s16  }
0x12f: {  	[hbm4b:s20+s2] =	stream.linear.scatter [tilespmem:s1], [sflag:$0x5], $0x80, $0x38;
	[tilespmem:$0x10080] =	vst v63  }
0x130: {  	_ =	swait.ge [sflag:s24], $0x2000  }
0x131: {  	[sflag:s24] =	ssyncset.done $0x0  }
0x132: {  	[sflag:s24] =	ssyncadd.s32 $0xFFFFE000  }
0x133: {  	_ =	swait.ge [sflag:s29], $0x2000  }
0x134: {  	[sflag:s29] =	ssyncset.done $0x0  }
0x135: {  	s21 =	simm.s32 $0xF0;
	[sflag:s29] =	ssyncadd.s32 $0xFFFFE000  }
0x136: {  	v2 =	vld [tilespmem:s21+$0x0]  }
0x137: {  	v3 =	vld [tilespmem:s21+$0xFFFFFFA0]  }
0x138: {  	v4 =	vld [tilespmem:s21+$0xFFFFFFB0]  }
0x139: {  	v5 =	vld [tilespmem:s21+$0xFFFFFFC0]  }
0x13a: {  	v7 =	vld [tilespmem:s21+$0xFFFFFFD0]  }
0x13b: {  	v8 =	vld [tilespmem:s21+$0xFFFFFFE0];
	v6 =	vmax.f32 v2, v1  }
0x13c: {  	v10 =	vld [tilespmem:s21+$0xFFFFFFF0];
	v9 =	vmax.f32 v3, v1;
	v6 =	vmin.f32 v6, v0  }
0x13d: {  	s3 =	simm.s32 $0x2F0;
	v11 =	vld [tilespmem:s21+$0xFFFFFF90];
	v12 =	vmax.f32 v4, v1;
	v9 =	vmin.f32 v9, v0;
	v2 =	vsub.f32 v2, v6  }
0x13e: {  	s1 =	simm.s32 $0x80F0;
	v13 =	vld [tilespmem:s3+$0x0];
	v3 =	vsub.f32 v3, v9;
	v9 =	vmin.f32 v12, v0;
	v12 =	vmax.f32 v5, v1  }
0x13f: {  	v14 =	vmax.f32 v7, v1;
	v6 =	vld [tilespmem:s3+$0xFFFFFFA0];
	v9 =	vsub.f32 v4, v9;
	v12 =	vmin.f32 v12, v0;
	[tilespmem:s1+$0x0] =	vst v2  }
0x140: {  	v4 =	vld [tilespmem:s3+$0xFFFFFFB0];
	[tilespmem:s1+$0xFFFFFFA0] =	vst v3;
	v3 =	vsub.f32 v5, v12;
	v5 =	vmin.f32 v14, v0;
	v12 =	vmax.f32 v8, v1  }
0x141: {  	v2 =	vld [tilespmem:s3+$0xFFFFFFC0];
	[tilespmem:s1+$0xFFFFFFB0] =	vst v9;
	v7 =	vsub.f32 v7, v5;
	v9 =	vmin.f32 v12, v0;
	v12 =	vmax.f32 v10, v1  }
0x142: {  	v14 =	vmax.f32 v11, v1;
	v5 =	vld [tilespmem:s3+$0xFFFFFFD0];
	[tilespmem:s1+$0xFFFFFFC0] =	vst v3;
	v8 =	vsub.f32 v8, v9;
	v9 =	vmin.f32 v12, v0  }
0x143: {  	v14 =	vmin.f32 v14, v0;
	v3 =	vld [tilespmem:s3+$0xFFFFFFE0];
	v12 =	vmax.f32 v13, v1;
	[tilespmem:s1+$0xFFFFFFD0] =	vst v7;
	v15 =	vsub.f32 v10, v9  }
0x144: {  	v9 =	vmax.f32 v6, v1;
	v7 =	vld [tilespmem:s3+$0xFFFFFFF0];
	v16 =	vmin.f32 v12, v0;
	v10 =	vsub.f32 v11, v14;
	[tilespmem:s1+$0xFFFFFFE0] =	vst v8  }
0x145: {  	s21 =	simm.s32 $0x8;
	v8 =	vld [tilespmem:s3+$0xFFFFFF90];
	v11 =	vmin.f32 v9, v0;
	v12 =	vmax.f32 v4, v1;
	v9 =	vsub.f32 v13, v16;
	s3 =	simm.s32 $0x4F0;
	[tilespmem:s1+$0xFFFFFFF0] =	vst v15  }
.LBB2_38:
0x146: {  	v13 =	vld [tilespmem:s3+$0x0];
	s21 =	sadd.s32 $0x8, s21;
	v11 =	vsub.f32 v6, v11;
	v12 =	vmin.f32 v12, v0;
	v14 =	vmax.f32 v2, v1;
	[tilespmem:s1+$0xFFFFFF90] =	vst v10;
	s1 =	sadd.s32 $0x200, s1  }
0x147: {  	v6 =	vld [tilespmem:s3+$0xFFFFFFA0];
	p0 =	slt.u32 s21, $0x1F8;
	v10 =	vsub.f32 v4, v12;
	v12 =	vmin.f32 v14, v0;
	v14 =	vmax.f32 v5, v1;
	[tilespmem:s1+$0x0] =	vst v9  }
0x148: {  	v4 =	vld [tilespmem:s3+$0xFFFFFFB0];
	[tilespmem:s1+$0xFFFFFFA0] =	vst v11;
	v9 =	vsub.f32 v2, v12;
	v11 =	vmin.f32 v14, v0;
	v12 =	vmax.f32 v3, v1  }
.Ltmp18:
0x149: {  	v2 =	vld [tilespmem:s3+$0xFFFFFFC0];
	[tilespmem:s1+$0xFFFFFFB0] =	vst v10;
	v10 =	vsub.f32 v5, v11;
	v11 =	vmin.f32 v12, v0;
	v12 =	vmax.f32 v7, v1;
	(pc) =	sbr.rel @p0 .LBB2_38-.Ltmp18, $4  }
0x14a: {  	v5 =	vld [tilespmem:s3+$0xFFFFFFD0];
	v14 =	vmax.f32 v8, v1;
	[tilespmem:s1+$0xFFFFFFC0] =	vst v9;
	v9 =	vsub.f32 v3, v11;
	v11 =	vmin.f32 v12, v0  }
0x14b: {  	v3 =	vld [tilespmem:s3+$0xFFFFFFE0];
	v12 =	vmax.f32 v13, v1;
	v14 =	vmin.f32 v14, v0;
	[tilespmem:s1+$0xFFFFFFD0] =	vst v10;
	v15 =	vsub.f32 v7, v11  }
0x14c: {  	v11 =	vmax.f32 v6, v1;
	v7 =	vld [tilespmem:s3+$0xFFFFFFF0];
	v16 =	vmin.f32 v12, v0;
	v10 =	vsub.f32 v8, v14;
	[tilespmem:s1+$0xFFFFFFE0] =	vst v9  }
0x14d: {  	v8 =	vld [tilespmem:s3+$0xFFFFFF90];
	v11 =	vmin.f32 v11, v0;
	v12 =	vmax.f32 v4, v1;
	v9 =	vsub.f32 v13, v16;
	s3 =	sadd.s32 $0x200, s3;
	[tilespmem:s1+$0xFFFFFFF0] =	vst v15  }
0x14e: {  	v6 =	vsub.f32 v6, v11;
	v52 =	vmin.f32 v12, v0;
	v53 =	vmax.f32 v2, v1;
	[tilespmem:s1+$0xFFFFFF90] =	vst v10;
	s3 =	sadd.s32 $0x200, s1  }
0x14f: {  	v4 =	vsub.f32 v4, v52;
	v54 =	vmin.f32 v53, v0;
	v55 =	vmax.f32 v5, v1;
	[tilespmem:s3+$0x0] =	vst v9  }
0x150: {  	[tilespmem:s3+$0xFFFFFFA0] =	vst v6;
	v2 =	vsub.f32 v2, v54;
	v56 =	vmin.f32 v55, v0;
	v57 =	vmax.f32 v3, v1  }
0x151: {  	[tilespmem:s3+$0xFFFFFFB0] =	vst v4;
	v58 =	vsub.f32 v5, v56;
	v59 =	vmin.f32 v57, v0;
	v60 =	vmax.f32 v7, v1  }
0x152: {  	v61 =	vmax.f32 v8, v1;
	[tilespmem:s3+$0xFFFFFFC0] =	vst v2;
	v2 =	vsub.f32 v3, v59;
	v3 =	vmin.f32 v60, v0  }
0x153: {  	v62 =	vmin.f32 v61, v0;
	[tilespmem:s3+$0xFFFFFFD0] =	vst v58;
	v3 =	vsub.f32 v7, v3  }
0x154: {  	v63 =	vsub.f32 v8, v62;
	[tilespmem:s3+$0xFFFFFFE0] =	vst v2  }
0x155: {  	s1 =	simm.s32 $0x8080;
	[tilespmem:s3+$0xFFFFFFF0] =	vst v3  }
0x156: {  	s20 =	sadd.s32 $0x0, s17;
	s21 =	simm.s32 $0x8280;
	[tilespmem:s3+$0xFFFFFF90] =	vst v63;
	s3 =	simm.s32 $0x10  }
.LBB2_40:
0x157: {  	[hbm4b:s20+s2] =	stream.linear.scatter [tilespmem:s1], [sflag:$0x6], $0x80, $0x38;
	[tilespmem:$0x10080] =	vst v63  }
0x158: {  	s20 =	smov.u32 s3;
	s1 =	smov.u32 s21;
	p0 =	sne.s32 s3, $0x3F0  }
.Ltmp19:
0x159: {  	s3 =	sadd.s32 $0x10, s3;
	(pc) =	sbr.rel @p0 .LBB2_40-.Ltmp19, $2  }
0x15a: {  	_ =	sdelay $0x2  }
0x15b: {  	s21 =	sadd.s32 $0x200, s21;
	s20 =	sadd.s32 s20, s17  }
0x15c: {  	[hbm4b:s20+s2] =	stream.linear.scatter [tilespmem:s1], [sflag:$0x6], $0x80, $0x38;
	[tilespmem:$0x10080] =	vst v63  }
0x15d: {  	_ =	swait.ge [sflag:s25], $0x2000  }
0x15e: {  	[sflag:s25] =	ssyncset.done $0x0  }
0x15f: {  	[sflag:s25] =	ssyncadd.s32 $0xFFFFE000  }
0x160: {  	_ =	swait.ge [sflag:s30], $0x2000  }
0x161: {  	[sflag:s30] =	ssyncset.done $0x0  }
0x162: {  	s21 =	simm.s32 $0x170;
	[sflag:s30] =	ssyncadd.s32 $0xFFFFE000  }
0x163: {  	v2 =	vld [tilespmem:s21+$0x0]  }
0x164: {  	v3 =	vld [tilespmem:s21+$0xFFFFFFA0]  }
0x165: {  	v4 =	vld [tilespmem:s21+$0xFFFFFFB0]  }
0x166: {  	v5 =	vld [tilespmem:s21+$0xFFFFFFC0]  }
0x167: {  	v7 =	vld [tilespmem:s21+$0xFFFFFFD0]  }
0x168: {  	v8 =	vld [tilespmem:s21+$0xFFFFFFE0];
	v6 =	vmax.f32 v2, v1  }
0x169: {  	v10 =	vld [tilespmem:s21+$0xFFFFFFF0];
	v9 =	vmax.f32 v3, v1;
	v6 =	vmin.f32 v6, v0  }
0x16a: {  	s3 =	simm.s32 $0x370;
	v11 =	vld [tilespmem:s21+$0xFFFFFF90];
	v12 =	vmax.f32 v4, v1;
	v9 =	vmin.f32 v9, v0;
	v2 =	vsub.f32 v2, v6  }
0x16b: {  	s1 =	simm.s32 $0x8170;
	v13 =	vld [tilespmem:s3+$0x0];
	v3 =	vsub.f32 v3, v9;
	v9 =	vmin.f32 v12, v0;
	v12 =	vmax.f32 v5, v1  }
0x16c: {  	v14 =	vmax.f32 v7, v1;
	v6 =	vld [tilespmem:s3+$0xFFFFFFA0];
	v9 =	vsub.f32 v4, v9;
	v12 =	vmin.f32 v12, v0;
	[tilespmem:s1+$0x0] =	vst v2  }
0x16d: {  	v4 =	vld [tilespmem:s3+$0xFFFFFFB0];
	[tilespmem:s1+$0xFFFFFFA0] =	vst v3;
	v3 =	vsub.f32 v5, v12;
	v5 =	vmin.f32 v14, v0;
	v12 =	vmax.f32 v8, v1  }
0x16e: {  	v2 =	vld [tilespmem:s3+$0xFFFFFFC0];
	[tilespmem:s1+$0xFFFFFFB0] =	vst v9;
	v7 =	vsub.f32 v7, v5;
	v9 =	vmin.f32 v12, v0;
	v12 =	vmax.f32 v10, v1  }
0x16f: {  	v14 =	vmax.f32 v11, v1;
	v5 =	vld [tilespmem:s3+$0xFFFFFFD0];
	[tilespmem:s1+$0xFFFFFFC0] =	vst v3;
	v8 =	vsub.f32 v8, v9;
	v9 =	vmin.f32 v12, v0  }
0x170: {  	v14 =	vmin.f32 v14, v0;
	v3 =	vld [tilespmem:s3+$0xFFFFFFE0];
	v12 =	vmax.f32 v13, v1;
	[tilespmem:s1+$0xFFFFFFD0] =	vst v7;
	v15 =	vsub.f32 v10, v9  }
0x171: {  	v9 =	vmax.f32 v6, v1;
	v7 =	vld [tilespmem:s3+$0xFFFFFFF0];
	v16 =	vmin.f32 v12, v0;
	v10 =	vsub.f32 v11, v14;
	[tilespmem:s1+$0xFFFFFFE0] =	vst v8  }
0x172: {  	s21 =	simm.s32 $0x8;
	v8 =	vld [tilespmem:s3+$0xFFFFFF90];
	v11 =	vmin.f32 v9, v0;
	v12 =	vmax.f32 v4, v1;
	v9 =	vsub.f32 v13, v16;
	s3 =	simm.s32 $0x570;
	[tilespmem:s1+$0xFFFFFFF0] =	vst v15  }
.LBB2_42:
0x173: {  	v13 =	vld [tilespmem:s3+$0x0];
	s21 =	sadd.s32 $0x8, s21;
	v11 =	vsub.f32 v6, v11;
	v12 =	vmin.f32 v12, v0;
	v14 =	vmax.f32 v2, v1;
	[tilespmem:s1+$0xFFFFFF90] =	vst v10;
	s1 =	sadd.s32 $0x200, s1  }
0x174: {  	v6 =	vld [tilespmem:s3+$0xFFFFFFA0];
	p0 =	slt.u32 s21, $0x1F8;
	v10 =	vsub.f32 v4, v12;
	v12 =	vmin.f32 v14, v0;
	v14 =	vmax.f32 v5, v1;
	[tilespmem:s1+$0x0] =	vst v9  }
0x175: {  	v4 =	vld [tilespmem:s3+$0xFFFFFFB0];
	[tilespmem:s1+$0xFFFFFFA0] =	vst v11;
	v9 =	vsub.f32 v2, v12;
	v11 =	vmin.f32 v14, v0;
	v12 =	vmax.f32 v3, v1  }
.Ltmp20:
0x176: {  	v2 =	vld [tilespmem:s3+$0xFFFFFFC0];
	[tilespmem:s1+$0xFFFFFFB0] =	vst v10;
	v10 =	vsub.f32 v5, v11;
	v11 =	vmin.f32 v12, v0;
	v12 =	vmax.f32 v7, v1;
	(pc) =	sbr.rel @p0 .LBB2_42-.Ltmp20, $4  }
0x177: {  	v5 =	vld [tilespmem:s3+$0xFFFFFFD0];
	v14 =	vmax.f32 v8, v1;
	[tilespmem:s1+$0xFFFFFFC0] =	vst v9;
	v9 =	vsub.f32 v3, v11;
	v11 =	vmin.f32 v12, v0  }
0x178: {  	v3 =	vld [tilespmem:s3+$0xFFFFFFE0];
	v12 =	vmax.f32 v13, v1;
	v14 =	vmin.f32 v14, v0;
	[tilespmem:s1+$0xFFFFFFD0] =	vst v10;
	v15 =	vsub.f32 v7, v11  }
0x179: {  	v11 =	vmax.f32 v6, v1;
	v7 =	vld [tilespmem:s3+$0xFFFFFFF0];
	v16 =	vmin.f32 v12, v0;
	v10 =	vsub.f32 v8, v14;
	[tilespmem:s1+$0xFFFFFFE0] =	vst v9  }
0x17a: {  	v8 =	vld [tilespmem:s3+$0xFFFFFF90];
	v11 =	vmin.f32 v11, v0;
	v12 =	vmax.f32 v4, v1;
	v9 =	vsub.f32 v13, v16;
	s3 =	sadd.s32 $0x200, s3;
	[tilespmem:s1+$0xFFFFFFF0] =	vst v15  }
0x17b: {  	v6 =	vsub.f32 v6, v11;
	v52 =	vmin.f32 v12, v0;
	v53 =	vmax.f32 v2, v1;
	[tilespmem:s1+$0xFFFFFF90] =	vst v10;
	s3 =	sadd.s32 $0x200, s1  }
0x17c: {  	v4 =	vsub.f32 v4, v52;
	v54 =	vmin.f32 v53, v0;
	v55 =	vmax.f32 v5, v1;
	[tilespmem:s3+$0x0] =	vst v9  }
0x17d: {  	[tilespmem:s3+$0xFFFFFFA0] =	vst v6;
	v2 =	vsub.f32 v2, v54;
	v56 =	vmin.f32 v55, v0;
	v57 =	vmax.f32 v3, v1  }
0x17e: {  	[tilespmem:s3+$0xFFFFFFB0] =	vst v4;
	v58 =	vsub.f32 v5, v56;
	v59 =	vmin.f32 v57, v0;
	v60 =	vmax.f32 v7, v1  }
0x17f: {  	v61 =	vmax.f32 v8, v1;
	[tilespmem:s3+$0xFFFFFFC0] =	vst v2;
	v2 =	vsub.f32 v3, v59;
	v3 =	vmin.f32 v60, v0  }
0x180: {  	v62 =	vmin.f32 v61, v0;
	[tilespmem:s3+$0xFFFFFFD0] =	vst v58;
	v3 =	vsub.f32 v7, v3  }
0x181: {  	v63 =	vsub.f32 v8, v62;
	[tilespmem:s3+$0xFFFFFFE0] =	vst v2  }
0x182: {  	s1 =	simm.s32 $0x8100;
	[tilespmem:s3+$0xFFFFFFF0] =	vst v3  }
0x183: {  	s20 =	sadd.s32 $0x0, s18;
	s21 =	simm.s32 $0x8300;
	[tilespmem:s3+$0xFFFFFF90] =	vst v63;
	s3 =	simm.s32 $0x10  }
.LBB2_44:
0x184: {  	[hbm4b:s20+s2] =	stream.linear.scatter [tilespmem:s1], [sflag:$0x7], $0x80, $0x38;
	[tilespmem:$0x10080] =	vst v63  }
0x185: {  	s20 =	smov.u32 s3;
	s1 =	smov.u32 s21;
	p0 =	sne.s32 s3, $0x3F0  }
.Ltmp21:
0x186: {  	s3 =	sadd.s32 $0x10, s3;
	(pc) =	sbr.rel @p0 .LBB2_44-.Ltmp21, $2  }
0x187: {  	_ =	sdelay $0x2  }
0x188: {  	s21 =	sadd.s32 $0x200, s21;
	s20 =	sadd.s32 s20, s18  }
0x189: {  	[hbm4b:s20+s2] =	stream.linear.scatter [tilespmem:s1], [sflag:$0x7], $0x80, $0x38;
	[tilespmem:$0x10080] =	vst v63  }
0x18a: {  	_ =	swait.ge [sflag:s26], $0x2000  }
0x18b: {  	[sflag:s26] =	ssyncset.done $0x0  }
0x18c: {  	[sflag:s26] =	ssyncadd.s32 $0xFFFFE000  }
0x18d: {  	_ =	swait.ge [sflag:s31], $0x2000  }
0x18e: {  	[sflag:s31] =	ssyncset.done $0x0  }
0x18f: {  	s21 =	simm.s32 $0x1F0;
	[sflag:s31] =	ssyncadd.s32 $0xFFFFE000  }
0x190: {  	v2 =	vld [tilespmem:s21+$0x0]  }
0x191: {  	v3 =	vld [tilespmem:s21+$0xFFFFFFA0]  }
0x192: {  	v4 =	vld [tilespmem:s21+$0xFFFFFFB0]  }
0x193: {  	v5 =	vld [tilespmem:s21+$0xFFFFFFC0]  }
0x194: {  	v7 =	vld [tilespmem:s21+$0xFFFFFFD0]  }
0x195: {  	v8 =	vld [tilespmem:s21+$0xFFFFFFE0];
	v6 =	vmax.f32 v2, v1  }
0x196: {  	v10 =	vld [tilespmem:s21+$0xFFFFFFF0];
	v9 =	vmax.f32 v3, v1;
	v6 =	vmin.f32 v6, v0  }
0x197: {  	s3 =	simm.s32 $0x3F0;
	v11 =	vld [tilespmem:s21+$0xFFFFFF90];
	v12 =	vmax.f32 v4, v1;
	v9 =	vmin.f32 v9, v0;
	v2 =	vsub.f32 v2, v6  }
0x198: {  	s1 =	simm.s32 $0x81F0;
	v13 =	vld [tilespmem:s3+$0x0];
	v3 =	vsub.f32 v3, v9;
	v9 =	vmin.f32 v12, v0;
	v12 =	vmax.f32 v5, v1  }
0x199: {  	v14 =	vmax.f32 v7, v1;
	v6 =	vld [tilespmem:s3+$0xFFFFFFA0];
	v9 =	vsub.f32 v4, v9;
	v12 =	vmin.f32 v12, v0;
	[tilespmem:s1+$0x0] =	vst v2  }
0x19a: {  	v4 =	vld [tilespmem:s3+$0xFFFFFFB0];
	[tilespmem:s1+$0xFFFFFFA0] =	vst v3;
	v3 =	vsub.f32 v5, v12;
	v5 =	vmin.f32 v14, v0;
	v12 =	vmax.f32 v8, v1  }
0x19b: {  	v2 =	vld [tilespmem:s3+$0xFFFFFFC0];
	[tilespmem:s1+$0xFFFFFFB0] =	vst v9;
	v7 =	vsub.f32 v7, v5;
	v9 =	vmin.f32 v12, v0;
	v12 =	vmax.f32 v10, v1  }
0x19c: {  	v14 =	vmax.f32 v11, v1;
	v5 =	vld [tilespmem:s3+$0xFFFFFFD0];
	[tilespmem:s1+$0xFFFFFFC0] =	vst v3;
	v8 =	vsub.f32 v8, v9;
	v9 =	vmin.f32 v12, v0  }
0x19d: {  	v14 =	vmin.f32 v14, v0;
	v3 =	vld [tilespmem:s3+$0xFFFFFFE0];
	v12 =	vmax.f32 v13, v1;
	[tilespmem:s1+$0xFFFFFFD0] =	vst v7;
	v15 =	vsub.f32 v10, v9  }
0x19e: {  	v9 =	vmax.f32 v6, v1;
	v7 =	vld [tilespmem:s3+$0xFFFFFFF0];
	v16 =	vmin.f32 v12, v0;
	v10 =	vsub.f32 v11, v14;
	[tilespmem:s1+$0xFFFFFFE0] =	vst v8  }
0x19f: {  	s21 =	simm.s32 $0x8;
	v8 =	vld [tilespmem:s3+$0xFFFFFF90];
	v11 =	vmin.f32 v9, v0;
	v12 =	vmax.f32 v4, v1;
	v9 =	vsub.f32 v13, v16;
	s3 =	simm.s32 $0x5F0;
	[tilespmem:s1+$0xFFFFFFF0] =	vst v15  }
.LBB2_46:
0x1a0: {  	v13 =	vld [tilespmem:s3+$0x0];
	s21 =	sadd.s32 $0x8, s21;
	v11 =	vsub.f32 v6, v11;
	v12 =	vmin.f32 v12, v0;
	v14 =	vmax.f32 v2, v1;
	[tilespmem:s1+$0xFFFFFF90] =	vst v10;
	s1 =	sadd.s32 $0x200, s1  }
0x1a1: {  	v6 =	vld [tilespmem:s3+$0xFFFFFFA0];
	p0 =	slt.u32 s21, $0x1F8;
	v10 =	vsub.f32 v4, v12;
	v12 =	vmin.f32 v14, v0;
	v14 =	vmax.f32 v5, v1;
	[tilespmem:s1+$0x0] =	vst v9  }
0x1a2: {  	v4 =	vld [tilespmem:s3+$0xFFFFFFB0];
	[tilespmem:s1+$0xFFFFFFA0] =	vst v11;
	v9 =	vsub.f32 v2, v12;
	v11 =	vmin.f32 v14, v0;
	v12 =	vmax.f32 v3, v1  }
.Ltmp22:
0x1a3: {  	v2 =	vld [tilespmem:s3+$0xFFFFFFC0];
	[tilespmem:s1+$0xFFFFFFB0] =	vst v10;
	v10 =	vsub.f32 v5, v11;
	v11 =	vmin.f32 v12, v0;
	v12 =	vmax.f32 v7, v1;
	(pc) =	sbr.rel @p0 .LBB2_46-.Ltmp22, $4  }
0x1a4: {  	v5 =	vld [tilespmem:s3+$0xFFFFFFD0];
	v14 =	vmax.f32 v8, v1;
	[tilespmem:s1+$0xFFFFFFC0] =	vst v9;
	v9 =	vsub.f32 v3, v11;
	v11 =	vmin.f32 v12, v0  }
0x1a5: {  	v3 =	vld [tilespmem:s3+$0xFFFFFFE0];
	v12 =	vmax.f32 v13, v1;
	v14 =	vmin.f32 v14, v0;
	[tilespmem:s1+$0xFFFFFFD0] =	vst v10;
	v15 =	vsub.f32 v7, v11  }
0x1a6: {  	v11 =	vmax.f32 v6, v1;
	v7 =	vld [tilespmem:s3+$0xFFFFFFF0];
	v16 =	vmin.f32 v12, v0;
	v10 =	vsub.f32 v8, v14;
	[tilespmem:s1+$0xFFFFFFE0] =	vst v9  }
0x1a7: {  	v8 =	vld [tilespmem:s3+$0xFFFFFF90];
	v11 =	vmin.f32 v11, v0;
	v12 =	vmax.f32 v4, v1;
	v9 =	vsub.f32 v13, v16;
	s3 =	sadd.s32 $0x200, s3;
	[tilespmem:s1+$0xFFFFFFF0] =	vst v15  }
0x1a8: {  	v6 =	vsub.f32 v6, v11;
	v49 =	vmin.f32 v12, v0;
	v50 =	vmax.f32 v2, v1;
	[tilespmem:s1+$0xFFFFFF90] =	vst v10;
	s3 =	sadd.s32 $0x200, s1  }
0x1a9: {  	v4 =	vsub.f32 v4, v49;
	v51 =	vmin.f32 v50, v0;
	v52 =	vmax.f32 v5, v1;
	[tilespmem:s3+$0x0] =	vst v9  }
0x1aa: {  	[tilespmem:s3+$0xFFFFFFA0] =	vst v6;
	v53 =	vsub.f32 v2, v51;
	v54 =	vmin.f32 v52, v0;
	v55 =	vmax.f32 v3, v1  }
0x1ab: {  	[tilespmem:s3+$0xFFFFFFB0] =	vst v4;
	v56 =	vsub.f32 v5, v54;
	v57 =	vmin.f32 v55, v0;
	v58 =	vmax.f32 v7, v1  }
0x1ac: {  	v59 =	vmax.f32 v8, v1;
	[tilespmem:s3+$0xFFFFFFC0] =	vst v53;
	v60 =	vsub.f32 v3, v57;
	v61 =	vmin.f32 v58, v0  }
0x1ad: {  	v62 =	vmin.f32 v59, v0;
	[tilespmem:s3+$0xFFFFFFD0] =	vst v56;
	v63 =	vsub.f32 v7, v61  }
0x1ae: {  	v0 =	vsub.f32 v8, v62;
	[tilespmem:s3+$0xFFFFFFE0] =	vst v60  }
0x1af: {  	s1 =	simm.s32 $0x8180;
	[tilespmem:s3+$0xFFFFFFF0] =	vst v63  }
0x1b0: {  	s20 =	sadd.s32 $0x0, s19;
	s21 =	simm.s32 $0x8380;
	[tilespmem:s3+$0xFFFFFF90] =	vst v0;
	s3 =	simm.s32 $0x10  }
.LBB2_48:
0x1b1: {  	[hbm4b:s20+s2] =	stream.linear.scatter [tilespmem:s1], [sflag:$0x8], $0x80, $0x38;
	[tilespmem:$0x10080] =	vst v63  }
0x1b2: {  	s20 =	smov.u32 s3;
	s1 =	smov.u32 s21;
	p0 =	sne.s32 s3, $0x3F0  }
.Ltmp23:
0x1b3: {  	s3 =	sadd.s32 $0x10, s3;
	(pc) =	sbr.rel @p0 .LBB2_48-.Ltmp23, $2  }
0x1b4: {  	_ =	sdelay $0x2  }
0x1b5: {  	s21 =	sadd.s32 $0x200, s21;
	s20 =	sadd.s32 s20, s19  }
0x1b6: {  	[hbm4b:s20+s2] =	stream.linear.scatter [tilespmem:s1], [sflag:$0x8], $0x80, $0x38;
	[tilespmem:$0x10080] =	vst v63  }
0x1b7: {  	_ =	swait.ge [sflag:s28], $0x2000  }
0x1b8: {  	[sflag:s28] =	ssyncset.done $0x0  }
0x1b9: {  	[sflag:s28] =	ssyncadd.s32 $0xFFFFE000  }
0x1ba: {  	_ =	swait.ge [sflag:s29], $0x2000  }
0x1bb: {  	[sflag:s29] =	ssyncset.done $0x0  }
0x1bc: {  	[sflag:s29] =	ssyncadd.s32 $0xFFFFE000  }
0x1bd: {  	_ =	swait.ge [sflag:s30], $0x2000  }
0x1be: {  	[sflag:s30] =	ssyncset.done $0x0  }
0x1bf: {  	[sflag:s30] =	ssyncadd.s32 $0xFFFFE000  }
0x1c0: {  	_ =	swait.ge [sflag:s31], $0x2000  }
0x1c1: {  	s0 =	sadd.s32 $0x1, s0;
	s21 =	rddreg [dreg:$0x4]  }
0x1c2: {  	p0 =	sne.s32 s0, s21  }
.Ltmp24:
0x1c3: {  	_ = 	snop;
	(pc) =	sbr.rel @p0 .LBB2_1-.Ltmp24, $3  }
0x1c4: {  	_ =	sdelay $0x1  }
0x1c5: {  	[sflag:s31] =	ssyncset.done $0x0  }
0x1c6: {  	[sflag:s31] =	ssyncadd.s32 $0xFFFFE000  }
0x1c7: {  	_ =	sfence.sel $0x180000  }
0x1c8: {  	[bflag:$0x0] =	sbarrier.arrive $0xFFFF  }
0x1c9: {  	_ =	strace $0x9000004A  }
0x1ca: {  	s0 =	stileid.u32;
	[bflag:$0x2] =	sbarrier.arrive $0xFFFF  }
0x1cb: {  	p0 =	sne.s32 s0, $0x0;
	s0 =	rddreg [dreg:$0x2]  }
0x1cc: {  	s0 =	sadd.s32 @!p0 $0x100000, s0  }
0x1cd: {  	[sflag:s0] =	ssyncadd.tile.s32 @!p0 $0x1;
	_ =	shalt  }
.Lfunc_end2:
_tile_overlayer_lowered:
.L_overlay_start_2:
0x1ce: {  	(tag) =	ssettag $0x2  }
0x1cf: {  	s0 =	rddreg [dreg:$0x0];
	s2 =	stileid.u32  }
0x1d0: {  	s1 =	rddreg [dreg:$0x1];
	p0 =	sne.s32 s2, $0x0  }
0x1d1: {  	s3 =	rddreg [dreg:$0x2];
	[bflag:$0x3] =	sbarrier.arrive $0xFFFF;
	s2 =	simm.s32 @!p0 $0x1C09  }
0x1d2: {  	[timem:s3], [sflag:s2] =	dma.local @!p0 [hbm:s0], s1  }
0x1d3: {  	s0 =	simm.s32 @!p0 $0x9  }
0x1d4: {  	_ =	swait.ge @!p0 [sflag:s0], s1  }
0x1d5: {  	s1 =	ssub.s32 @!p0 $0x0, s1;
	[sflag:s0] =	ssyncset.done @!p0 $0x0  }
0x1d6: {  	[sflag:s0] =	ssyncadd.s32 @!p0 s1  }
0x1d7: {  	[bflag:$0x3] =	sbarrier.arrive $0xFFFF  }
0x1d8: {  	_ =	shalt  }

// kernel: sparse-core-data-format-call.cloned.1.call-start
scs
called_computation_lowered:
.L_overlay_start_0:
0x0: {  	s2 =	sld [smem:$0x3FD9]  }
0x1: {  	s3 =	sld [smem:$0x3FFE];
	_ =	sdelay $0x1  }
0x2: {  	s1 =	srdreg.scid  }
0x3: {  	s0 =	sand.u32 $0x1, s1  }
0x4: {  	s19 =	sshll.u32 s0, $0xA;
	s2 =	sadd.s32 s3, s2  }
0x5: {  	s2 =	sadd.s32 s2, s19  }
0x6: {  	[smem:$0x3FC6] =	sst s2  }
0x7: {  	_ = 	snop  }
0x8: {  	s2 =	sld [smem:$0x3FC9]  }
0x9: {  	s20 =	sld [smem:$0x3FD0];
	(tm) =	ssettm $0x1  }
0xa: {  	s4 =	sld [smem:$0x3FFB];
	_ =	sdelay $0x3  }
0xb: {  	_ =	strace s4  }
0xc: {  	s4 =	sld [smem:$0x3FFC];
	_ =	sdelay $0x3  }
0xd: {  	_ =	strace s4  }
0xe: {  	s4 =	sld [smem:$0x3FFD];
	_ =	sdelay $0x3  }
0xf: {  	_ =	strace s4  }
0x10: {  	_ =	strace $0x8FFFFFFF  }
0x11: {  	s21 =	sld [smem:$0x3FDB];
	_ =	sdelay $0x1  }
0x12: {  	s5 =	simm.s32 $_scs_section_size  }
0x13: {  	s6 =	simm.s32 $_size__tile_overlayer_lowered;
	s7 =	simm.s32 $_tile_overlayer_lowered  }
0x14: {  	s24 =	simm.s32 $0x1BFF;
	s23 =	sshll.u32 s7, $0x1;
	s4 =	sadd.s32 s5, s21  }
0x15: {  	s8 =	simm.s32 $0x0;
	s22 =	sshll.u32 s6, $0x1;
	s6 =	sadd.s32 s23, s4  }
0x16: {  	[timem:s8], [sflag:s24] =	dma.local [hbm:s6], s22  }
0x17: {  	_ =	swait.ge [sflag:s24], s22  }
0x18: {  	s5 =	ssub.s32 $0x0, s22;
	[sflag:s24] =	ssyncset.done $0x0  }
0x19: {  	[sflag:s24] =	ssyncadd.s32 s5;
	_ =	sdelay $0x1  }
0x1a: {  	s25 =	simm.s32 $0x1B8B  }
0x1b: {  	_ =	swait.ge [sflag:s25], $0x1  }
0x1c: {  	[sflag:s25] =	ssyncset.done $0x0  }
0x1d: {  	s26 =	simm.s32 $0x1B8E;
	[sflag:s25] =	ssyncadd.s32 $0xFFFFFFFF  }
0x1e: {  	s27 =	simm.s32 $execute0_lowered;
	[smem:$0x3FD2] =	sst s26  }
0x1f: {  	s5 =	sshll.u32 s27, $0x1;
	_ =	strace $0x80000046;
	[dreg:$0x1] =	wrdreg $0xFFFFFFFF  }
0x20: {  	s28 =	simm.s32 $_size_execute0_lowered;
	s4 =	sadd.s32 s4, s5;
	[dreg:$0x0] =	wrdreg $0x0  }
0x21: {  	s5 =	sshll.u32 s28, $0x1;
	[dreg:$0x2] =	wrdreg s4  }
0x22: {  	[dreg:$0x3] =	wrdreg s5  }
0x23: {  	[dreg:$0x4] =	wrdreg $0xC0  }
0x24: {  	_ =	task [dreg:s8], $0x5FFFF  }
0x25: {  	[dreg:$0x1] =	wrdreg $0xFFFFFFFF  }
0x26: {  	[dreg:$0x0] =	wrdreg $0x60  }
0x27: {  	[dreg:$0x2] =	wrdreg s2  }
0x28: {  	[dreg:$0x3] =	wrdreg s20  }
0x29: {  	[dreg:$0x4] =	wrdreg $0x9  }
0x2a: {  	_ =	task.clear_ibuf [dreg:s8], $0x5FFFF;
	_ =	strace $0x90000046  }
0x2b: {  	s29 =	simm.s32 $0x9;
	_ =	strace $0x80000048  }
0x2c: {  	_ =	swait.ge [sflag:s29], $0x1  }
0x2d: {  	[sflag:s29] =	ssyncadd.s32 $0xFFFFFFFF  }
0x2e: {  	_ =	strace $0x90000048  }
0x2f: {  	_ =	sfence  }
0x30: {  	s30 =	sld [smem:$0x0];
	_ =	sdelay $0x2  }
0x31: {  	s31 =	sshll.u32 s1, $0xD;
	s1 =	sshrl.u32 s1, $0x2  }
0x32: {  	s3 =	sand.u32 $0x4000, s31;
	s1 =	sadd.s32 s1, s30  }
0x33: {  	s0 =	sor.u32 s3, s0;
	s1 =	sshll.u32 s1, $0x11  }
0x34: {  	s0 =	sor.u32 s1, s0  }
0x35: {  	s0 =	sadd.s32 $0x8F2B, s0  }
0x36: {  	[sflag:s0] =	ssyncadd.remote.s32 $0x1  }
0x37: {  	_ =	sfence.sel $0xFFFF  }
0x38: {  	[dreg:$0x0] =	wrdreg $0xFFFFFFFF;
	(pc) =	sbr.abs _section_cstart, $3  }
0x39: {  	[dreg:$0x1] =	wrdreg $0xFFFFFFFF  }
0x3a: {  	_ =	task.clear_ibuf [dreg:s8], $0x2FFFF;
	_ =	strace $0x9FFFFFFF  }
0x3b: {  	(tm) =	ssettm $0x7FFFFFFF  }
tec
execute0_lowered:
.L_overlay_start_1:
0x0: {  	(tag) =	ssettag $0x1  }
0x1: {  	s2 =	rddreg [dreg:$0x0]  }
0x2: {  	s3 =	rddreg [dreg:$0x1]  }
0x3: {  	s0 =	rddreg [dreg:$0x2];
	_ =	strace $0x80000047  }
0x4: {  	s4 =	srdreg.scid;
	s1 =	stileid.u32;
	s6 =	simm.s32 $0x2  }
.Ltmp0:
0x5: {  	s11 =	simm.s32 $0x0;
	p0 =	por $0x0, $0x0;
	(pc) =	sbr.rel .LBB1_1-.Ltmp0, $4  }
0x6: {  	s7 =	simm.s32 $0x1000;
	s12 =	simm.s32 $0x0;
	s5 =	sshll.u32 s4, $0x4  }
0x7: {  	s9 =	simm.s32 $0x0;
	s4 =	simm.s32 $0x1;
	s5 =	sand.u32 $0x10, s5  }
0x8: {  	s8 =	simm.s32 $0x0;
	[sflag:s4] =	ssyncpa.u1 $0x0;
	s5 =	sor.u32 s1, s5  }
0x9: {  	[sflag:s6] =	ssyncpa.u1 $0x0;
	s6 =	simm.s32 $0x800;
	s10 =	smov.u32 s5  }
.LBB1_7:
0xa: {  	s13 =	sadd.s32 $0x10, s9  }
0xb: {  	s11 =	sadd.s32 $0x20, s10;
	s15 =	smov.u32 s10;
	p2 =	sgt.s32 s13, $0x1F  }
0xc: {  	p1 =	slt.u32 s8, $0x2;
	s15 =	smov.u32 @p2 s11  }
0xd: {  	s8 =	sadd.s32 $0x1, s8;
	s13 =	simm.s32 @p2 $0x0;
	p2 =	sgt.s32 s15, $0x1FF  }
0xe: {  	s15 =	smov.u32 @p2 s5;
	p2 =	sne.s32 s8, $0x22  }
.Ltmp1:
0xf: {  	_ = 	snop;
	(pc) =	sbr.rel @!p2 .LBB1_8-.Ltmp1, $4  }
0x10: {  	s14 =	simm.s32 @!p1 $0x2  }
0x11: {  	s12 =	smov.u32 s10;
	_ =	swait.ge @!p1 [sflag:s14], $0x4000  }
0x12: {  	p0 =	por !p0, !p0;
	s11 =	smov.u32 s9;
	[sflag:s14] =	ssyncset.done @!p1 $0x0  }
0x13: {  	s9 =	smov.u32 s13;
	[sflag:s14] =	ssyncadd.s32 @!p1 $0xFFFFC000;
	s10 =	smov.u32 s15  }
.LBB1_1:
0x14: {  	p1 =	sgt.u32 s8, $0x1F  }
0x15: {  	s13 =	sxor.u32 @!p1 $0xFFFFFFFF, s8;
	s14 =	sshll.u32 @!p1 s10, $0xC  }
0x16: {  	s15 =	sshll.u32 @!p1 s9, $0x7;
	s13 =	sshll.u32 @!p1 s13, $0xE;
	s14 =	sadd.s32 @!p1 s2, s14  }
0x17: {  	s13 =	sand.u32 @!p1 $0x4000, s13;
	s14 =	sadd.s32 @!p1 s15, s14;
	s15 =	simm.s32 @!p1 $0x0  }
0x18: {  	[tilespmem:s13], [sflag:$0x1] =	stream.linear.gather @!p1 [hbm4b:s14+s15], $0x4000, $0x38;
	[tilespmem:$0x10000] =	vst v63  }
0x19: {  	p1 =	seq.s32 s8, $0x0  }
0x1a: {  	p2 =	seq.s32 @!p1 s8, $0x21  }
0x1b: {  	p1 =	por p1, p2  }
.Ltmp2:
0x1c: {  	_ = 	snop;
	(pc) =	sbr.rel @p1 .LBB1_7-.Ltmp2, $1  }
0x1d: {  	_ =	sdelay $0x3  }
0x1e: {  	s13 =	simm.s32 $0x1;
	_ =	swait.ge [sflag:s4], $0x4000;
	s16 =	sshll.u32 s8, $0xE  }
0x1f: {  	s13 =	simm.s32 @!p0 $0x0;
	[sflag:s4] =	ssyncset.done $0x0;
	s31 =	sand.u32 $0x4000, s16  }
0x20: {  	s16 =	simm.s32 $0x0;
	s14 =	sshll.u32 s13, $0xE;
	[sflag:s4] =	ssyncadd.s32 $0xFFFFC000  }
0x21: {  	s13 =	sor.u32 $0x8040, s14;
	s15 =	sor.u32 $0x40, s14;
	s14 =	sor.u32 $0x8000, s31  }
.LBB1_3:
0x22: {  	v0 =	vmov s15;
	_ =	sdelay $0x3  }
0x23: {  	s18 =	simm.s32 $0x0  }
0x24: {  	v6 =	vld.idx.msk [tilespmem:v0+s18+$0x30 ss:$0x1], $0xffff  }
0x25: {  	v7 =	vld.idx.msk [tilespmem:v0+s18+$0xFFFFFFC0 ss:$0x1], $0xffff  }
0x26: {  	v5 =	vld.idx.msk [tilespmem:v0+s18+$0xFFFFFFD0 ss:$0x1], $0xffff  }
0x27: {  	v4 =	vld.idx.msk [tilespmem:v0+s18+$0xFFFFFFE0 ss:$0x1], $0xffff  }
0x28: {  	v3 =	vld.idx.msk [tilespmem:v0+s18+$0xFFFFFFF0 ss:$0x1], $0xffff  }
0x29: {  	v1 =	vld.idx.msk [tilespmem:v0+s18+$0x0 ss:$0x1], $0xffff  }
0x2a: {  	v2 =	vld.idx.msk [tilespmem:v0+s18+$0x10 ss:$0x1], $0xffff;
	[tilespmem:s13+$0x30] =	vst v6  }
0x2b: {  	s17 =	simm.s32 $0x80;
	s19 =	simm.s32 $0x400;
	[tilespmem:s13+$0xFFFFFFC0] =	vst v7;
	v6 =	vld.idx.msk [tilespmem:v0+s18+$0x20 ss:$0x1], $0xffff;
	s18 =	smov.u32 s13  }
.LBB1_4:
0x2c: {  	p1 =	sne.s32 s19, $0xE00;
	v7 =	vld.idx.msk [tilespmem:v0+s17+$0x30 ss:$0x1], $0xffff;
	[tilespmem:s18+$0xFFFFFFD0] =	vst v5  }
0x2d: {  	v8 =	vld.idx.msk [tilespmem:v0+s17+$0xFFFFFFC0 ss:$0x1], $0xffff;
	[tilespmem:s18+$0xFFFFFFE0] =	vst v4  }
0x2e: {  	v5 =	vld.idx.msk [tilespmem:v0+s17+$0xFFFFFFD0 ss:$0x1], $0xffff;
	[tilespmem:s18+$0xFFFFFFF0] =	vst v3  }
.Ltmp3:
0x2f: {  	v4 =	vld.idx.msk [tilespmem:v0+s17+$0xFFFFFFE0 ss:$0x1], $0xffff;
	[tilespmem:s18+$0x0] =	vst v1;
	(pc) =	sbr.rel @p1 .LBB1_4-.Ltmp3, $4  }
0x30: {  	v3 =	vld.idx.msk [tilespmem:v0+s17+$0xFFFFFFF0 ss:$0x1], $0xffff;
	[tilespmem:s18+$0x10] =	vst v2  }
0x31: {  	v1 =	vld.idx.msk [tilespmem:v0+s17+$0x0 ss:$0x1], $0xffff;
	[tilespmem:s18+$0x20] =	vst v6;
	s18 =	sadd.s32 $0x800, s18  }
0x32: {  	v2 =	vld.idx.msk [tilespmem:v0+s17+$0x10 ss:$0x1], $0xffff;
	[tilespmem:s18+$0x30] =	vst v7  }
0x33: {  	[tilespmem:s18+$0xFFFFFFC0] =	vst v8;
	v6 =	vld.idx.msk [tilespmem:v0+s17+$0x20 ss:$0x1], $0xffff;
	s17 =	sshra.s32 s19, $0x2;
	s19 =	sadd.s32 $0x200, s19  }
0x34: {  	_ =	sdelay $0x2  }
0x35: {  	[tilespmem:s18+$0xFFFFFFD0] =	vst v5  }
0x36: {  	v56 =	vld.idx.msk [tilespmem:v0+s17+$0x30 ss:$0x1], $0xffff;
	[tilespmem:s18+$0xFFFFFFE0] =	vst v4  }
0x37: {  	v57 =	vld.idx.msk [tilespmem:v0+s17+$0xFFFFFFC0 ss:$0x1], $0xffff;
	[tilespmem:s18+$0xFFFFFFF0] =	vst v3  }
0x38: {  	v58 =	vld.idx.msk [tilespmem:v0+s17+$0xFFFFFFD0 ss:$0x1], $0xffff;
	[tilespmem:s18+$0x0] =	vst v1  }
0x39: {  	v59 =	vld.idx.msk [tilespmem:v0+s17+$0xFFFFFFE0 ss:$0x1], $0xffff;
	[tilespmem:s18+$0x10] =	vst v2  }
0x3a: {  	v60 =	vld.idx.msk [tilespmem:v0+s17+$0xFFFFFFF0 ss:$0x1], $0xffff;
	s31 =	sadd.s32 $0x800, s18;
	[tilespmem:s18+$0x20] =	vst v6  }
0x3b: {  	v61 =	vld.idx.msk [tilespmem:v0+s17+$0x0 ss:$0x1], $0xffff;
	[tilespmem:s31+$0x30] =	vst v56  }
0x3c: {  	v62 =	vld.idx.msk [tilespmem:v0+s17+$0x10 ss:$0x1], $0xffff;
	s16 =	sadd.s32 $0x1, s16;
	[tilespmem:s31+$0xFFFFFFC0] =	vst v57  }
0x3d: {  	v63 =	vld.idx.msk [tilespmem:v0+s17+$0x20 ss:$0x1], $0xffff;
	p1 =	sne.s32 s16, $0x10;
	[tilespmem:s31+$0xFFFFFFD0] =	vst v58  }
.Ltmp4:
0x3e: {  	[tilespmem:s31+$0xFFFFFFE0] =	vst v59;
	(pc) =	sbr.rel @p1 .LBB1_3-.Ltmp4, $4  }
0x3f: {  	[tilespmem:s31+$0xFFFFFFF0] =	vst v60  }
0x40: {  	[tilespmem:s31+$0x0] =	vst v61  }
0x41: {  	[tilespmem:s31+$0x10] =	vst v62  }
0x42: {  	s13 =	sadd.s32 $0x80, s13;
	s15 =	sadd.s32 $0x400, s15;
	[tilespmem:s31+$0x20] =	vst v63  }
.Ltmp5:
0x43: {  	(pc) =	sbr.rel .LBB1_7-.Ltmp5, $4  }
0x44: {  	s12 =	sshll.u32 s12, $0xC;
	s11 =	sshll.u32 s11, $0x4  }
0x45: {  	s11 =	sand.u32 $0x1F0, s11;
	s12 =	sadd.s32 s3, s12  }
0x46: {  	s11 =	sadd.s32 s11, s12  }
0x47: {  	[hbm4b:s11+s6] =	stream.strided.scatter [tilespmem:s14], [sflag:$0x2], $0x4000, s7, s6, $0x38;
	[tilespmem:$0x10000] =	vst v63  }
.LBB1_8:
0x48: {  	_ =	sfence.sel $0x180000  }
0x49: {  	s2 =	simm.s32 $0x1;
	[bflag:$0x0] =	sbarrier.arrive $0xFFFF  }
0x4a: {  	s31 =	simm.s32 $0x2;
	[sflag:s2] =	ssyncpa.u1 $0x1  }
0x4b: {  	[sflag:s31] =	ssyncpa.u1 $0x1  }
0x4c: {  	p0 =	sne.s32 s1, $0x0;
	_ =	strace $0x90000047  }
0x4d: {  	s0 =	sadd.s32 @!p0 $0x100000, s0;
	[bflag:$0x2] =	sbarrier.arrive $0xFFFF  }
0x4e: {  	[sflag:s0] =	ssyncadd.tile.s32 @!p0 $0x1;
	_ =	shalt  }
.Lfunc_end1:
_tile_overlayer_lowered:
.L_overlay_start_2:
0x4f: {  	(tag) =	ssettag $0x2  }
0x50: {  	s0 =	rddreg [dreg:$0x0];
	s2 =	stileid.u32  }
0x51: {  	s1 =	rddreg [dreg:$0x1];
	p0 =	sne.s32 s2, $0x0  }
0x52: {  	s3 =	rddreg [dreg:$0x2];
	[bflag:$0x3] =	sbarrier.arrive $0xFFFF;
	s2 =	simm.s32 @!p0 $0x1C01  }
0x53: {  	[timem:s3], [sflag:s2] =	dma.local @!p0 [hbm:s0], s1  }
0x54: {  	s0 =	simm.s32 @!p0 $0x1  }
0x55: {  	_ =	swait.ge @!p0 [sflag:s0], s1  }
0x56: {  	s1 =	ssub.s32 @!p0 $0x0, s1;
	[sflag:s0] =	ssyncset.done @!p0 $0x0  }
0x57: {  	[sflag:s0] =	ssyncadd.s32 @!p0 s1  }
0x58: {  	[bflag:$0x3] =	sbarrier.arrive $0xFFFF  }
0x59: {  	_ =	shalt  }

</sc_bundles>
